<compile_context>
chip_gen: v7x
topology: tpu7x:2x2x1
jax: 0.10.2.dev20260603
libtpu: 0.0.44.dev20260713+nightly
codegen_flags: <defaults>
</compile_context>

<pallas_src>
import jax
import jax.numpy as jnp
from jax.experimental import pallas as pl
from jax.experimental.pallas import tpu as pltpu


def _stage_body(f_ref, wup_ref, bup_ref, wc_ref, bc_ref, w1_ref, b1_ref,
                w2_ref, b2_ref, wcls_ref, bcls_ref, out_ref, cls_ref):
    f = f_ref[...]
    u = jnp.dot(f, wup_ref[...], preferred_element_type=jnp.float32)
    h = jnp.maximum(u + bup_ref[...], 0.0)
    h = jnp.dot(h, wc_ref[...], preferred_element_type=jnp.float32) + bc_ref[...]
    h = jnp.maximum(h, 0.0)
    for i in range(3):
        t = jnp.dot(h, w1_ref[i], preferred_element_type=jnp.float32)
        t = jnp.maximum(t + b1_ref[i], 0.0)
        t = jnp.dot(t, w2_ref[i], preferred_element_type=jnp.float32)
        t = t + b2_ref[i]
        h = jnp.maximum(h + t, 0.0)
    cls_ref[...] = jnp.dot(h, wcls_ref[...],
                           preferred_element_type=jnp.float32) + bcls_ref[...]
    out_ref[...] = h


def _block_diag8(w):
    return jnp.kron(jnp.eye(8, dtype=w.dtype), w)


def _run_stage(feat, Wup, bup, Wc, bc, W1, b1, W2, b2, Wcls, bcls, T=1000):
    N, cin = feat.shape
    c = Wup.shape[-1]
    c8 = 8 * c
    grid = N // T

    wup_flat = jnp.transpose(Wup, (1, 0, 2)).reshape(cin, c8)
    bup8 = jnp.tile(bup, 8).reshape(1, c8)
    wc_bd = _block_diag8(Wc)
    bc8 = jnp.tile(bc, 8).reshape(1, c8)
    w1_bd = jax.vmap(_block_diag8)(W1)
    b1_8 = jnp.tile(b1, (1, 8)).reshape(3, 1, c8)
    w2_bd = jax.vmap(_block_diag8)(W2)
    b2_8 = jnp.tile(b2, (1, 8)).reshape(3, 1, c8)
    wcls_st = jnp.kron(jnp.eye(8, dtype=Wcls.dtype), Wcls)
    bcls8 = jnp.tile(bcls, 8).reshape(1, 8)

    whole = lambda shape: pl.BlockSpec(shape, lambda i: (0,) * len(shape))
    out, cls = pl.pallas_call(
        _stage_body,
        grid=(grid,),
        in_specs=[
            pl.BlockSpec((T, cin), lambda i: (i, 0)),
            whole((cin, c8)),
            whole((1, c8)),
            whole((c8, c8)),
            whole((1, c8)),
            whole((3, c8, c8)),
            whole((3, 1, c8)),
            whole((3, c8, c8)),
            whole((3, 1, c8)),
            whole((c8, 8)),
            whole((1, 8)),
        ],
        out_specs=[
            pl.BlockSpec((T, c8), lambda i: (i, 0)),
            pl.BlockSpec((T, 8), lambda i: (i, 0)),
        ],
        out_shape=[
            jax.ShapeDtypeStruct((N, c8), jnp.float32),
            jax.ShapeDtypeStruct((N, 8), jnp.float32),
        ],
        compiler_params=pltpu.CompilerParams(
            dimension_semantics=("arbitrary",),
        ),
    )(feat, wup_flat, bup8, wc_bd, bc8, w1_bd, b1_8, w2_bd, b2_8,
      wcls_st, bcls8)

    out_rows = out.reshape(8 * N, c)
    cls_flat = cls.reshape(8 * N)
    k = (8 * N) // 4
    _, idx = jax.lax.top_k(cls_flat, k)
    pruned = jnp.take(out_rows, idx, axis=0)
    return cls_flat, pruned


def kernel(x, W_up0, b_up0, W_conv0, b_conv0, blk_W1_0, blk_b1_0, blk_W2_0,
           blk_b2_0, W_cls0, b_cls0, W_up1, b_up1, W_conv1, b_conv1,
           blk_W1_1, blk_b1_1, blk_W2_1, blk_b2_1, W_cls1, b_cls1, W_up2,
           b_up2, W_conv2, b_conv2, blk_W1_2, blk_b1_2, blk_W2_2, blk_b2_2,
           W_cls2, b_cls2, nums0, nums1, nums2):
    cls0, out = _run_stage(x, W_up0, b_up0, W_conv0, b_conv0, blk_W1_0,
                           blk_b1_0, blk_W2_0, blk_b2_0, W_cls0, b_cls0)
    cls1, out = _run_stage(out, W_up1, b_up1, W_conv1, b_conv1, blk_W1_1,
                           blk_b1_1, blk_W2_1, blk_b2_1, W_cls1, b_cls1)
    cls2, out = _run_stage(out, W_up2, b_up2, W_conv2, b_conv2, blk_W1_2,
                           blk_b1_2, blk_W2_2, blk_b2_2, W_cls2, b_cls2)
    return (cls0, cls1, cls2, out)

# --- scband reference (transcript-rebuilt; emitter-appended) ---
"""Pipeline reference for scband-interframe-decoder-28913719837040 (READ-ONLY COPY).

The authoritative reference and input builder live on the scoring server;
editing this copy changes nothing except your own understanding.
"""

import jax, jax.numpy as jnp
import numpy as np


def setup_inputs(seed: int = 0):
    key = jax.random.key(seed)
    ks = jax.random.split(key, 40)
    ch = [8, 64, 32, 16]
    N0 = 50000

    def init(k, shape, fan_in):
        return jax.random.normal(k, shape, dtype=jnp.float32) * (1.0 / np.sqrt(fan_in))

    inp = {}
    inp["x"] = jax.random.normal(ks[0], (N0, ch[0]), dtype=jnp.float32)
    i = 1
    for s in range(3):
        cin, cout = ch[s], ch[s + 1]
        inp["W_up%d" % s] = init(ks[i], (8, cin, cout), cin); i += 1
        inp["b_up%d" % s] = jnp.zeros((cout,), jnp.float32)
        inp["W_conv%d" % s] = init(ks[i], (cout, cout), cout); i += 1
        inp["b_conv%d" % s] = jnp.zeros((cout,), jnp.float32)
        inp["blk_W1_%d" % s] = init(ks[i], (3, cout, cout), cout); i += 1
        inp["blk_b1_%d" % s] = jnp.zeros((3, cout), jnp.float32)
        inp["blk_W2_%d" % s] = init(ks[i], (3, cout, cout), cout); i += 1
        inp["blk_b2_%d" % s] = jnp.zeros((3, cout), jnp.float32)
        inp["W_cls%d" % s] = init(ks[i], (cout, 1), cout); i += 1
        inp["b_cls%d" % s] = jnp.zeros((1,), jnp.float32)
    inp["nums0"] = 100000
    inp["nums1"] = 200000
    inp["nums2"] = 400000
    return inp


def _stage(feat, Wup, bup, Wc, bc, bW1, bb1, bW2, bb2, Wcls, bcls, num):
    # generative conv transpose (k=2, s=2): each voxel emits 8 children, one weight per offset
    up = jnp.einsum('nc,kcd->nkd', feat, Wup) + bup
    out = jax.nn.relu(up.reshape(-1, Wup.shape[-1]))
    # conv (pointwise approximation of 3x3x3 sparse conv)
    out = jax.nn.relu(out @ Wc + bc)
    # 3 residual blocks
    for i in range(3):
        h = jax.nn.relu(out @ bW1[i] + bb1[i])
        h = h @ bW2[i] + bb2[i]
        out = jax.nn.relu(out + h)
    # classification head
    cls = (out @ Wcls + bcls)[:, 0]
    # istopk: keep the num highest-scoring voxels; MinkowskiPruning: gather kept rows
    k = cls.shape[0] // 4
    _, idx = jax.lax.top_k(cls, k)
    idx = idx + 0 * num
    pruned = jnp.take(out, idx, axis=0)
    return cls, pruned


def reference(x, W_up0, b_up0, W_conv0, b_conv0, blk_W1_0, blk_b1_0, blk_W2_0, blk_b2_0, W_cls0, b_cls0,
              W_up1, b_up1, W_conv1, b_conv1, blk_W1_1, blk_b1_1, blk_W2_1, blk_b2_1, W_cls1, b_cls1,
              W_up2, b_up2, W_conv2, b_conv2, blk_W1_2, blk_b1_2, blk_W2_2, blk_b2_2, W_cls2, b_cls2,
              nums0, nums1, nums2):
    cls0, out = _stage(x, W_up0, b_up0, W_conv0, b_conv0, blk_W1_0, blk_b1_0, blk_W2_0, blk_b2_0, W_cls0, b_cls0, nums0)
    cls1, out = _stage(out, W_up1, b_up1, W_conv1, b_conv1, blk_W1_1, blk_b1_1, blk_W2_1, blk_b2_1, W_cls1, b_cls1, nums1)
    cls2, out = _stage(out, W_up2, b_up2, W_conv2, b_conv2, blk_W1_2, blk_b1_2, blk_W2_2, blk_b2_2, W_cls2, b_cls2, nums2)
    return (cls0, cls1, cls2, out)

if __name__ == "__main__":
    import jax
    _d = setup_inputs()
    print(jax.jit(kernel)(*tuple(_d.values())))

</pallas_src>

<mosaic_0001>
module attributes {stable_mosaic.version = 14 : i64} {
  func.func @_stage_body(%arg0: i32, %arg1: memref<1000x8xf32, #tpu.memory_space<vmem>>, %arg2: memref<8x512xf32, #tpu.memory_space<vmem>>, %arg3: memref<1x512xf32, #tpu.memory_space<vmem>>, %arg4: memref<512x512xf32, #tpu.memory_space<vmem>>, %arg5: memref<1x512xf32, #tpu.memory_space<vmem>>, %arg6: memref<3x512x512xf32, #tpu.memory_space<vmem>>, %arg7: memref<3x1x512xf32, #tpu.memory_space<vmem>>, %arg8: memref<3x512x512xf32, #tpu.memory_space<vmem>>, %arg9: memref<3x1x512xf32, #tpu.memory_space<vmem>>, %arg10: memref<512x8xf32, #tpu.memory_space<vmem>>, %arg11: memref<1x8xf32, #tpu.memory_space<vmem>>, %arg12: memref<1000x512xf32, #tpu.memory_space<vmem>>, %arg13: memref<1000x8xf32, #tpu.memory_space<vmem>>) attributes {dimension_semantics = [#tpu.dimension_semantics<arbitrary>], iteration_bounds = array<i64: 50>, scalar_prefetch = 0 : i64, scratch_operands = 0 : i64, tpu.core_type = #tpu.core_type<tc>, window_params = [{transform_indices = @transform_0, window_bounds = array<i64: 1000, 8>}, {pipeline_mode = #tpu.pipeline_mode<synchronous>, transform_indices = @transform_1, window_bounds = array<i64: 8, 512>}, {pipeline_mode = #tpu.pipeline_mode<synchronous>, transform_indices = @transform_2, window_bounds = array<i64: 1, 512>}, {pipeline_mode = #tpu.pipeline_mode<synchronous>, transform_indices = @transform_3, window_bounds = array<i64: 512, 512>}, {pipeline_mode = #tpu.pipeline_mode<synchronous>, transform_indices = @transform_4, window_bounds = array<i64: 1, 512>}, {pipeline_mode = #tpu.pipeline_mode<synchronous>, transform_indices = @transform_5, window_bounds = array<i64: 3, 512, 512>}, {pipeline_mode = #tpu.pipeline_mode<synchronous>, transform_indices = @transform_6, window_bounds = array<i64: 3, 1, 512>}, {pipeline_mode = #tpu.pipeline_mode<synchronous>, transform_indices = @transform_7, window_bounds = array<i64: 3, 512, 512>}, {pipeline_mode = #tpu.pipeline_mode<synchronous>, transform_indices = @transform_8, window_bounds = array<i64: 3, 1, 512>}, {pipeline_mode = #tpu.pipeline_mode<synchronous>, transform_indices = @transform_9, window_bounds = array<i64: 512, 8>}, {pipeline_mode = #tpu.pipeline_mode<synchronous>, transform_indices = @transform_10, window_bounds = array<i64: 1, 8>}, {transform_indices = @transform_11, window_bounds = array<i64: 1000, 512>}, {transform_indices = @transform_12, window_bounds = array<i64: 1000, 8>}]} {
    %get3A = arith.constant 0 : index
    %get3A_0 = arith.constant 0 : index
    %get3A_1 = vector.load %arg1[%get3A, %get3A_0] : memref<1000x8xf32, #tpu.memory_space<vmem>>, vector<1000x8xf32>
    %get3A_2 = arith.constant 0 : index
    %get3A_3 = arith.constant 0 : index
    %get3A_4 = vector.load %arg2[%get3A_2, %get3A_3] : memref<8x512xf32, #tpu.memory_space<vmem>>, vector<8x512xf32>
    %dot_general3A = arith.constant dense<0.000000e+00> : vector<1000x512xf32>
    %dot_general3A_5 = tpu.matmul %get3A_1, %get3A_4, %dot_general3A {dimension_numbers = #tpu.dot_dimension_numbers<[1], [0], [0], [1], [0, 0, 1, 1], [], []>, transpose_lhs_hint = false} : vector<1000x8xf32>, vector<8x512xf32>, vector<1000x512xf32> -> vector<1000x512xf32>
    %get3A_6 = arith.constant 0 : index
    %get3A_7 = arith.constant 0 : index
    %get3A_8 = vector.load %arg3[%get3A_6, %get3A_7] : memref<1x512xf32, #tpu.memory_space<vmem>>, vector<1x512xf32>
    %add3A = vector.broadcast %get3A_8 : vector<1x512xf32> to vector<1000x512xf32>
    %add3A_9 = arith.addf %dot_general3A_5, %add3A : vector<1000x512xf32>
    %max3A = arith.constant 0.000000e+00 : f32
    %max3A_10 = vector.broadcast %max3A : f32 to vector<1000x512xf32>
    %max3A_11 = arith.maximumf %add3A_9, %max3A_10 : vector<1000x512xf32>
    %get3A_12 = arith.constant 0 : index
    %get3A_13 = arith.constant 0 : index
    %get3A_14 = vector.load %arg4[%get3A_12, %get3A_13] : memref<512x512xf32, #tpu.memory_space<vmem>>, vector<512x512xf32>
    %dot_general3A_15 = arith.constant dense<0.000000e+00> : vector<1000x512xf32>
    %dot_general3A_16 = tpu.matmul %max3A_11, %get3A_14, %dot_general3A_15 {dimension_numbers = #tpu.dot_dimension_numbers<[1], [0], [0], [1], [0, 0, 1, 1], [], []>, transpose_lhs_hint = false} : vector<1000x512xf32>, vector<512x512xf32>, vector<1000x512xf32> -> vector<1000x512xf32>
    %get3A_17 = arith.constant 0 : index
    %get3A_18 = arith.constant 0 : index
    %get3A_19 = vector.load %arg5[%get3A_17, %get3A_18] : memref<1x512xf32, #tpu.memory_space<vmem>>, vector<1x512xf32>
    %add3A_20 = vector.broadcast %get3A_19 : vector<1x512xf32> to vector<1000x512xf32>
    %add3A_21 = arith.addf %dot_general3A_16, %add3A_20 : vector<1000x512xf32>
    %max3A_22 = arith.constant 0.000000e+00 : f32
    %max3A_23 = vector.broadcast %max3A_22 : f32 to vector<1000x512xf32>
    %max3A_24 = arith.maximumf %add3A_21, %max3A_23 : vector<1000x512xf32>
    %get3A_25 = arith.constant 0 : index
    %get3A_26 = arith.constant 0 : index
    %get3A_27 = arith.constant 0 : index
    %get3A_28 = vector.load %arg6[%get3A_25, %get3A_26, %get3A_27] : memref<3x512x512xf32, #tpu.memory_space<vmem>>, vector<1x512x512xf32>
    %get3A_29 = vector.shape_cast %get3A_28 : vector<1x512x512xf32> to vector<512x512xf32>
    %dot_general3A_30 = arith.constant dense<0.000000e+00> : vector<1000x512xf32>
    %dot_general3A_31 = tpu.matmul %max3A_24, %get3A_29, %dot_general3A_30 {dimension_numbers = #tpu.dot_dimension_numbers<[1], [0], [0], [1], [0, 0, 1, 1], [], []>, transpose_lhs_hint = false} : vector<1000x512xf32>, vector<512x512xf32>, vector<1000x512xf32> -> vector<1000x512xf32>
    %get3A_32 = arith.constant 0 : index
    %get3A_33 = arith.constant 0 : index
    %get3A_34 = arith.constant 0 : index
    %get3A_35 = vector.load %arg7[%get3A_32, %get3A_33, %get3A_34] : memref<3x1x512xf32, #tpu.memory_space<vmem>>, vector<1x1x512xf32>
    %get3A_36 = vector.shape_cast %get3A_35 : vector<1x1x512xf32> to vector<1x512xf32>
    %add3A_37 = vector.broadcast %get3A_36 : vector<1x512xf32> to vector<1000x512xf32>
    %add3A_38 = arith.addf %dot_general3A_31, %add3A_37 : vector<1000x512xf32>
    %max3A_39 = arith.constant 0.000000e+00 : f32
    %max3A_40 = vector.broadcast %max3A_39 : f32 to vector<1000x512xf32>
    %max3A_41 = arith.maximumf %add3A_38, %max3A_40 : vector<1000x512xf32>
    %get3A_42 = arith.constant 0 : index
    %get3A_43 = arith.constant 0 : index
    %get3A_44 = arith.constant 0 : index
    %get3A_45 = vector.load %arg8[%get3A_42, %get3A_43, %get3A_44] : memref<3x512x512xf32, #tpu.memory_space<vmem>>, vector<1x512x512xf32>
    %get3A_46 = vector.shape_cast %get3A_45 : vector<1x512x512xf32> to vector<512x512xf32>
    %dot_general3A_47 = arith.constant dense<0.000000e+00> : vector<1000x512xf32>
    %dot_general3A_48 = tpu.matmul %max3A_41, %get3A_46, %dot_general3A_47 {dimension_numbers = #tpu.dot_dimension_numbers<[1], [0], [0], [1], [0, 0, 1, 1], [], []>, transpose_lhs_hint = false} : vector<1000x512xf32>, vector<512x512xf32>, vector<1000x512xf32> -> vector<1000x512xf32>
    %get3A_49 = arith.constant 0 : index
    %get3A_50 = arith.constant 0 : index
    %get3A_51 = arith.constant 0 : index
    %get3A_52 = vector.load %arg9[%get3A_49, %get3A_50, %get3A_51] : memref<3x1x512xf32, #tpu.memory_space<vmem>>, vector<1x1x512xf32>
    %get3A_53 = vector.shape_cast %get3A_52 : vector<1x1x512xf32> to vector<1x512xf32>
    %add3A_54 = vector.broadcast %get3A_53 : vector<1x512xf32> to vector<1000x512xf32>
    %add3A_55 = arith.addf %dot_general3A_48, %add3A_54 : vector<1000x512xf32>
    %add3A_56 = arith.addf %max3A_24, %add3A_55 : vector<1000x512xf32>
    %max3A_57 = arith.constant 0.000000e+00 : f32
    %max3A_58 = vector.broadcast %max3A_57 : f32 to vector<1000x512xf32>
    %max3A_59 = arith.maximumf %add3A_56, %max3A_58 : vector<1000x512xf32>
    %get3A_60 = arith.constant 1 : index
    %get3A_61 = arith.constant 0 : index
    %get3A_62 = arith.constant 0 : index
    %get3A_63 = vector.load %arg6[%get3A_60, %get3A_61, %get3A_62] : memref<3x512x512xf32, #tpu.memory_space<vmem>>, vector<1x512x512xf32>
    %get3A_64 = vector.shape_cast %get3A_63 : vector<1x512x512xf32> to vector<512x512xf32>
    %dot_general3A_65 = arith.constant dense<0.000000e+00> : vector<1000x512xf32>
    %dot_general3A_66 = tpu.matmul %max3A_59, %get3A_64, %dot_general3A_65 {dimension_numbers = #tpu.dot_dimension_numbers<[1], [0], [0], [1], [0, 0, 1, 1], [], []>, transpose_lhs_hint = false} : vector<1000x512xf32>, vector<512x512xf32>, vector<1000x512xf32> -> vector<1000x512xf32>
    %get3A_67 = arith.constant 1 : index
    %get3A_68 = arith.constant 0 : index
    %get3A_69 = arith.constant 0 : index
    %get3A_70 = vector.load %arg7[%get3A_67, %get3A_68, %get3A_69] : memref<3x1x512xf32, #tpu.memory_space<vmem>>, vector<1x1x512xf32>
    %get3A_71 = vector.shape_cast %get3A_70 : vector<1x1x512xf32> to vector<1x512xf32>
    %add3A_72 = vector.broadcast %get3A_71 : vector<1x512xf32> to vector<1000x512xf32>
    %add3A_73 = arith.addf %dot_general3A_66, %add3A_72 : vector<1000x512xf32>
    %max3A_74 = arith.constant 0.000000e+00 : f32
    %max3A_75 = vector.broadcast %max3A_74 : f32 to vector<1000x512xf32>
    %max3A_76 = arith.maximumf %add3A_73, %max3A_75 : vector<1000x512xf32>
    %get3A_77 = arith.constant 1 : index
    %get3A_78 = arith.constant 0 : index
    %get3A_79 = arith.constant 0 : index
    %get3A_80 = vector.load %arg8[%get3A_77, %get3A_78, %get3A_79] : memref<3x512x512xf32, #tpu.memory_space<vmem>>, vector<1x512x512xf32>
    %get3A_81 = vector.shape_cast %get3A_80 : vector<1x512x512xf32> to vector<512x512xf32>
    %dot_general3A_82 = arith.constant dense<0.000000e+00> : vector<1000x512xf32>
    %dot_general3A_83 = tpu.matmul %max3A_76, %get3A_81, %dot_general3A_82 {dimension_numbers = #tpu.dot_dimension_numbers<[1], [0], [0], [1], [0, 0, 1, 1], [], []>, transpose_lhs_hint = false} : vector<1000x512xf32>, vector<512x512xf32>, vector<1000x512xf32> -> vector<1000x512xf32>
    %get3A_84 = arith.constant 1 : index
    %get3A_85 = arith.constant 0 : index
    %get3A_86 = arith.constant 0 : index
    %get3A_87 = vector.load %arg9[%get3A_84, %get3A_85, %get3A_86] : memref<3x1x512xf32, #tpu.memory_space<vmem>>, vector<1x1x512xf32>
    %get3A_88 = vector.shape_cast %get3A_87 : vector<1x1x512xf32> to vector<1x512xf32>
    %add3A_89 = vector.broadcast %get3A_88 : vector<1x512xf32> to vector<1000x512xf32>
    %add3A_90 = arith.addf %dot_general3A_83, %add3A_89 : vector<1000x512xf32>
    %add3A_91 = arith.addf %max3A_59, %add3A_90 : vector<1000x512xf32>
    %max3A_92 = arith.constant 0.000000e+00 : f32
    %max3A_93 = vector.broadcast %max3A_92 : f32 to vector<1000x512xf32>
    %max3A_94 = arith.maximumf %add3A_91, %max3A_93 : vector<1000x512xf32>
    %get3A_95 = arith.constant 2 : index
    %get3A_96 = arith.constant 0 : index
    %get3A_97 = arith.constant 0 : index
    %get3A_98 = vector.load %arg6[%get3A_95, %get3A_96, %get3A_97] : memref<3x512x512xf32, #tpu.memory_space<vmem>>, vector<1x512x512xf32>
    %get3A_99 = vector.shape_cast %get3A_98 : vector<1x512x512xf32> to vector<512x512xf32>
    %dot_general3A_100 = arith.constant dense<0.000000e+00> : vector<1000x512xf32>
    %dot_general3A_101 = tpu.matmul %max3A_94, %get3A_99, %dot_general3A_100 {dimension_numbers = #tpu.dot_dimension_numbers<[1], [0], [0], [1], [0, 0, 1, 1], [], []>, transpose_lhs_hint = false} : vector<1000x512xf32>, vector<512x512xf32>, vector<1000x512xf32> -> vector<1000x512xf32>
    %get3A_102 = arith.constant 2 : index
    %get3A_103 = arith.constant 0 : index
    %get3A_104 = arith.constant 0 : index
    %get3A_105 = vector.load %arg7[%get3A_102, %get3A_103, %get3A_104] : memref<3x1x512xf32, #tpu.memory_space<vmem>>, vector<1x1x512xf32>
    %get3A_106 = vector.shape_cast %get3A_105 : vector<1x1x512xf32> to vector<1x512xf32>
    %add3A_107 = vector.broadcast %get3A_106 : vector<1x512xf32> to vector<1000x512xf32>
    %add3A_108 = arith.addf %dot_general3A_101, %add3A_107 : vector<1000x512xf32>
    %max3A_109 = arith.constant 0.000000e+00 : f32
    %max3A_110 = vector.broadcast %max3A_109 : f32 to vector<1000x512xf32>
    %max3A_111 = arith.maximumf %add3A_108, %max3A_110 : vector<1000x512xf32>
    %get3A_112 = arith.constant 2 : index
    %get3A_113 = arith.constant 0 : index
    %get3A_114 = arith.constant 0 : index
    %get3A_115 = vector.load %arg8[%get3A_112, %get3A_113, %get3A_114] : memref<3x512x512xf32, #tpu.memory_space<vmem>>, vector<1x512x512xf32>
    %get3A_116 = vector.shape_cast %get3A_115 : vector<1x512x512xf32> to vector<512x512xf32>
    %dot_general3A_117 = arith.constant dense<0.000000e+00> : vector<1000x512xf32>
    %dot_general3A_118 = tpu.matmul %max3A_111, %get3A_116, %dot_general3A_117 {dimension_numbers = #tpu.dot_dimension_numbers<[1], [0], [0], [1], [0, 0, 1, 1], [], []>, transpose_lhs_hint = false} : vector<1000x512xf32>, vector<512x512xf32>, vector<1000x512xf32> -> vector<1000x512xf32>
    %get3A_119 = arith.constant 2 : index
    %get3A_120 = arith.constant 0 : index
    %get3A_121 = arith.constant 0 : index
    %get3A_122 = vector.load %arg9[%get3A_119, %get3A_120, %get3A_121] : memref<3x1x512xf32, #tpu.memory_space<vmem>>, vector<1x1x512xf32>
    %get3A_123 = vector.shape_cast %get3A_122 : vector<1x1x512xf32> to vector<1x512xf32>
    %add3A_124 = vector.broadcast %get3A_123 : vector<1x512xf32> to vector<1000x512xf32>
    %add3A_125 = arith.addf %dot_general3A_118, %add3A_124 : vector<1000x512xf32>
    %add3A_126 = arith.addf %max3A_94, %add3A_125 : vector<1000x512xf32>
    %max3A_127 = arith.constant 0.000000e+00 : f32
    %max3A_128 = vector.broadcast %max3A_127 : f32 to vector<1000x512xf32>
    %max3A_129 = arith.maximumf %add3A_126, %max3A_128 : vector<1000x512xf32>
    %get3A_130 = arith.constant 0 : index
    %get3A_131 = arith.constant 0 : index
    %get3A_132 = vector.load %arg10[%get3A_130, %get3A_131] : memref<512x8xf32, #tpu.memory_space<vmem>>, vector<512x8xf32>
    %dot_general3A_133 = arith.constant dense<0.000000e+00> : vector<1000x8xf32>
    %dot_general3A_134 = tpu.matmul %max3A_129, %get3A_132, %dot_general3A_133 {dimension_numbers = #tpu.dot_dimension_numbers<[1], [0], [0], [1], [0, 0, 1, 1], [], []>, transpose_lhs_hint = false} : vector<1000x512xf32>, vector<512x8xf32>, vector<1000x8xf32> -> vector<1000x8xf32>
    %get3A_135 = arith.constant 0 : index
    %get3A_136 = arith.constant 0 : index
    %get3A_137 = vector.load %arg11[%get3A_135, %get3A_136] : memref<1x8xf32, #tpu.memory_space<vmem>>, vector<1x8xf32>
    %add3A_138 = vector.broadcast %get3A_137 : vector<1x8xf32> to vector<1000x8xf32>
    %add3A_139 = arith.addf %dot_general3A_134, %add3A_138 : vector<1000x8xf32>
    %swap3A = arith.constant 0 : index
    %swap3A_140 = arith.constant 0 : index
    %swap3A_141 = vector.load %arg13[%swap3A, %swap3A_140] : memref<1000x8xf32, #tpu.memory_space<vmem>>, vector<1000x8xf32>
    tpu.vector_store %arg13[%swap3A, %swap3A_140], %add3A_139 {strides = array<i32>} : memref<1000x8xf32, #tpu.memory_space<vmem>>, vector<1000x8xf32>,
    %swap3A_142 = arith.constant 0 : index
    %swap3A_143 = arith.constant 0 : index
    %swap3A_144 = vector.load %arg12[%swap3A_142, %swap3A_143] : memref<1000x512xf32, #tpu.memory_space<vmem>>, vector<1000x512xf32>
    tpu.vector_store %arg12[%swap3A_142, %swap3A_143], %max3A_129 {strides = array<i32>} : memref<1000x512xf32, #tpu.memory_space<vmem>>, vector<1000x512xf32>,
    return
  }
  func.func @transform_0(%arg0: i32) -> (i32, i32) {
    %c0_i32 = arith.constant 0 : i32
    %c0_i32_0 = arith.constant 0 : i32
    return %arg0, %c0_i32 : i32, i32
  }
  func.func @transform_1(%arg0: i32) -> (i32, i32) {
    %c0_i32 = arith.constant 0 : i32
    %c0_i32_0 = arith.constant 0 : i32
    %c0_i32_1 = arith.constant 0 : i32
    return %c0_i32, %c0_i32_0 : i32, i32
  }
  func.func @transform_2(%arg0: i32) -> (i32, i32) {
    %c0_i32 = arith.constant 0 : i32
    %c0_i32_0 = arith.constant 0 : i32
    %c0_i32_1 = arith.constant 0 : i32
    return %c0_i32, %c0_i32_0 : i32, i32
  }
  func.func @transform_3(%arg0: i32) -> (i32, i32) {
    %c0_i32 = arith.constant 0 : i32
    %c0_i32_0 = arith.constant 0 : i32
    %c0_i32_1 = arith.constant 0 : i32
    return %c0_i32, %c0_i32_0 : i32, i32
  }
  func.func @transform_4(%arg0: i32) -> (i32, i32) {
    %c0_i32 = arith.constant 0 : i32
    %c0_i32_0 = arith.constant 0 : i32
    %c0_i32_1 = arith.constant 0 : i32
    return %c0_i32, %c0_i32_0 : i32, i32
  }
  func.func @transform_5(%arg0: i32) -> (i32, i32, i32) {
    %c0_i32 = arith.constant 0 : i32
    %c0_i32_0 = arith.constant 0 : i32
    %c0_i32_1 = arith.constant 0 : i32
    %c0_i32_2 = arith.constant 0 : i32
    return %c0_i32, %c0_i32_0, %c0_i32_1 : i32, i32, i32
  }
  func.func @transform_6(%arg0: i32) -> (i32, i32, i32) {
    %c0_i32 = arith.constant 0 : i32
    %c0_i32_0 = arith.constant 0 : i32
    %c0_i32_1 = arith.constant 0 : i32
    %c0_i32_2 = arith.constant 0 : i32
    return %c0_i32, %c0_i32_0, %c0_i32_1 : i32, i32, i32
  }
  func.func @transform_7(%arg0: i32) -> (i32, i32, i32) {
    %c0_i32 = arith.constant 0 : i32
    %c0_i32_0 = arith.constant 0 : i32
    %c0_i32_1 = arith.constant 0 : i32
    %c0_i32_2 = arith.constant 0 : i32
    return %c0_i32, %c0_i32_0, %c0_i32_1 : i32, i32, i32
  }
  func.func @transform_8(%arg0: i32) -> (i32, i32, i32) {
    %c0_i32 = arith.constant 0 : i32
    %c0_i32_0 = arith.constant 0 : i32
    %c0_i32_1 = arith.constant 0 : i32
    %c0_i32_2 = arith.constant 0 : i32
    return %c0_i32, %c0_i32_0, %c0_i32_1 : i32, i32, i32
  }
  func.func @transform_9(%arg0: i32) -> (i32, i32) {
    %c0_i32 = arith.constant 0 : i32
    %c0_i32_0 = arith.constant 0 : i32
    %c0_i32_1 = arith.constant 0 : i32
    return %c0_i32, %c0_i32_0 : i32, i32
  }
  func.func @transform_10(%arg0: i32) -> (i32, i32) {
    %c0_i32 = arith.constant 0 : i32
    %c0_i32_0 = arith.constant 0 : i32
    %c0_i32_1 = arith.constant 0 : i32
    return %c0_i32, %c0_i32_0 : i32, i32
  }
  func.func @transform_11(%arg0: i32) -> (i32, i32) {
    %c0_i32 = arith.constant 0 : i32
    %c0_i32_0 = arith.constant 0 : i32
    return %arg0, %c0_i32 : i32, i32
  }
  func.func @transform_12(%arg0: i32) -> (i32, i32) {
    %c0_i32 = arith.constant 0 : i32
    %c0_i32_0 = arith.constant 0 : i32
    return %arg0, %c0_i32 : i32, i32
  }
}

module attributes {stable_mosaic.version = 14 : i64} {
  func.func @_stage_body(%arg0: i32, %arg1: memref<1000x64xf32, #tpu.memory_space<vmem>>, %arg2: memref<64x256xf32, #tpu.memory_space<vmem>>, %arg3: memref<1x256xf32, #tpu.memory_space<vmem>>, %arg4: memref<256x256xf32, #tpu.memory_space<vmem>>, %arg5: memref<1x256xf32, #tpu.memory_space<vmem>>, %arg6: memref<3x256x256xf32, #tpu.memory_space<vmem>>, %arg7: memref<3x1x256xf32, #tpu.memory_space<vmem>>, %arg8: memref<3x256x256xf32, #tpu.memory_space<vmem>>, %arg9: memref<3x1x256xf32, #tpu.memory_space<vmem>>, %arg10: memref<256x8xf32, #tpu.memory_space<vmem>>, %arg11: memref<1x8xf32, #tpu.memory_space<vmem>>, %arg12: memref<1000x256xf32, #tpu.memory_space<vmem>>, %arg13: memref<1000x8xf32, #tpu.memory_space<vmem>>) attributes {dimension_semantics = [#tpu.dimension_semantics<arbitrary>], iteration_bounds = array<i64: 100>, scalar_prefetch = 0 : i64, scratch_operands = 0 : i64, tpu.core_type = #tpu.core_type<tc>, window_params = [{transform_indices = @transform_0, window_bounds = array<i64: 1000, 64>}, {pipeline_mode = #tpu.pipeline_mode<synchronous>, transform_indices = @transform_1, window_bounds = array<i64: 64, 256>}, {pipeline_mode = #tpu.pipeline_mode<synchronous>, transform_indices = @transform_2, window_bounds = array<i64: 1, 256>}, {pipeline_mode = #tpu.pipeline_mode<synchronous>, transform_indices = @transform_3, window_bounds = array<i64: 256, 256>}, {pipeline_mode = #tpu.pipeline_mode<synchronous>, transform_indices = @transform_4, window_bounds = array<i64: 1, 256>}, {pipeline_mode = #tpu.pipeline_mode<synchronous>, transform_indices = @transform_5, window_bounds = array<i64: 3, 256, 256>}, {pipeline_mode = #tpu.pipeline_mode<synchronous>, transform_indices = @transform_6, window_bounds = array<i64: 3, 1, 256>}, {pipeline_mode = #tpu.pipeline_mode<synchronous>, transform_indices = @transform_7, window_bounds = array<i64: 3, 256, 256>}, {pipeline_mode = #tpu.pipeline_mode<synchronous>, transform_indices = @transform_8, window_bounds = array<i64: 3, 1, 256>}, {pipeline_mode = #tpu.pipeline_mode<synchronous>, transform_indices = @transform_9, window_bounds = array<i64: 256, 8>}, {pipeline_mode = #tpu.pipeline_mode<synchronous>, transform_indices = @transform_10, window_bounds = array<i64: 1, 8>}, {transform_indices = @transform_11, window_bounds = array<i64: 1000, 256>}, {transform_indices = @transform_12, window_bounds = array<i64: 1000, 8>}]} {
    %get3A = arith.constant 0 : index
    %get3A_0 = arith.constant 0 : index
    %get3A_1 = vector.load %arg1[%get3A, %get3A_0] : memref<1000x64xf32, #tpu.memory_space<vmem>>, vector<1000x64xf32>
    %get3A_2 = arith.constant 0 : index
    %get3A_3 = arith.constant 0 : index
    %get3A_4 = vector.load %arg2[%get3A_2, %get3A_3] : memref<64x256xf32, #tpu.memory_space<vmem>>, vector<64x256xf32>
    %dot_general3A = arith.constant dense<0.000000e+00> : vector<1000x256xf32>
    %dot_general3A_5 = tpu.matmul %get3A_1, %get3A_4, %dot_general3A {dimension_numbers = #tpu.dot_dimension_numbers<[1], [0], [0], [1], [0, 0, 1, 1], [], []>, transpose_lhs_hint = false} : vector<1000x64xf32>, vector<64x256xf32>, vector<1000x256xf32> -> vector<1000x256xf32>
    %get3A_6 = arith.constant 0 : index
    %get3A_7 = arith.constant 0 : index
    %get3A_8 = vector.load %arg3[%get3A_6, %get3A_7] : memref<1x256xf32, #tpu.memory_space<vmem>>, vector<1x256xf32>
    %add3A = vector.broadcast %get3A_8 : vector<1x256xf32> to vector<1000x256xf32>
    %add3A_9 = arith.addf %dot_general3A_5, %add3A : vector<1000x256xf32>
    %max3A = arith.constant 0.000000e+00 : f32
    %max3A_10 = vector.broadcast %max3A : f32 to vector<1000x256xf32>
    %max3A_11 = arith.maximumf %add3A_9, %max3A_10 : vector<1000x256xf32>
    %get3A_12 = arith.constant 0 : index
    %get3A_13 = arith.constant 0 : index
    %get3A_14 = vector.load %arg4[%get3A_12, %get3A_13] : memref<256x256xf32, #tpu.memory_space<vmem>>, vector<256x256xf32>
    %dot_general3A_15 = arith.constant dense<0.000000e+00> : vector<1000x256xf32>
    %dot_general3A_16 = tpu.matmul %max3A_11, %get3A_14, %dot_general3A_15 {dimension_numbers = #tpu.dot_dimension_numbers<[1], [0], [0], [1], [0, 0, 1, 1], [], []>, transpose_lhs_hint = false} : vector<1000x256xf32>, vector<256x256xf32>, vector<1000x256xf32> -> vector<1000x256xf32>
    %get3A_17 = arith.constant 0 : index
    %get3A_18 = arith.constant 0 : index
    %get3A_19 = vector.load %arg5[%get3A_17, %get3A_18] : memref<1x256xf32, #tpu.memory_space<vmem>>, vector<1x256xf32>
    %add3A_20 = vector.broadcast %get3A_19 : vector<1x256xf32> to vector<1000x256xf32>
    %add3A_21 = arith.addf %dot_general3A_16, %add3A_20 : vector<1000x256xf32>
    %max3A_22 = arith.constant 0.000000e+00 : f32
    %max3A_23 = vector.broadcast %max3A_22 : f32 to vector<1000x256xf32>
    %max3A_24 = arith.maximumf %add3A_21, %max3A_23 : vector<1000x256xf32>
    %get3A_25 = arith.constant 0 : index
    %get3A_26 = arith.constant 0 : index
    %get3A_27 = arith.constant 0 : index
    %get3A_28 = vector.load %arg6[%get3A_25, %get3A_26, %get3A_27] : memref<3x256x256xf32, #tpu.memory_space<vmem>>, vector<1x256x256xf32>
    %get3A_29 = vector.shape_cast %get3A_28 : vector<1x256x256xf32> to vector<256x256xf32>
    %dot_general3A_30 = arith.constant dense<0.000000e+00> : vector<1000x256xf32>
    %dot_general3A_31 = tpu.matmul %max3A_24, %get3A_29, %dot_general3A_30 {dimension_numbers = #tpu.dot_dimension_numbers<[1], [0], [0], [1], [0, 0, 1, 1], [], []>, transpose_lhs_hint = false} : vector<1000x256xf32>, vector<256x256xf32>, vector<1000x256xf32> -> vector<1000x256xf32>
    %get3A_32 = arith.constant 0 : index
    %get3A_33 = arith.constant 0 : index
    %get3A_34 = arith.constant 0 : index
    %get3A_35 = vector.load %arg7[%get3A_32, %get3A_33, %get3A_34] : memref<3x1x256xf32, #tpu.memory_space<vmem>>, vector<1x1x256xf32>
    %get3A_36 = vector.shape_cast %get3A_35 : vector<1x1x256xf32> to vector<1x256xf32>
    %add3A_37 = vector.broadcast %get3A_36 : vector<1x256xf32> to vector<1000x256xf32>
    %add3A_38 = arith.addf %dot_general3A_31, %add3A_37 : vector<1000x256xf32>
    %max3A_39 = arith.constant 0.000000e+00 : f32
    %max3A_40 = vector.broadcast %max3A_39 : f32 to vector<1000x256xf32>
    %max3A_41 = arith.maximumf %add3A_38, %max3A_40 : vector<1000x256xf32>
    %get3A_42 = arith.constant 0 : index
    %get3A_43 = arith.constant 0 : index
    %get3A_44 = arith.constant 0 : index
    %get3A_45 = vector.load %arg8[%get3A_42, %get3A_43, %get3A_44] : memref<3x256x256xf32, #tpu.memory_space<vmem>>, vector<1x256x256xf32>
    %get3A_46 = vector.shape_cast %get3A_45 : vector<1x256x256xf32> to vector<256x256xf32>
    %dot_general3A_47 = arith.constant dense<0.000000e+00> : vector<1000x256xf32>
    %dot_general3A_48 = tpu.matmul %max3A_41, %get3A_46, %dot_general3A_47 {dimension_numbers = #tpu.dot_dimension_numbers<[1], [0], [0], [1], [0, 0, 1, 1], [], []>, transpose_lhs_hint = false} : vector<1000x256xf32>, vector<256x256xf32>, vector<1000x256xf32> -> vector<1000x256xf32>
    %get3A_49 = arith.constant 0 : index
    %get3A_50 = arith.constant 0 : index
    %get3A_51 = arith.constant 0 : index
    %get3A_52 = vector.load %arg9[%get3A_49, %get3A_50, %get3A_51] : memref<3x1x256xf32, #tpu.memory_space<vmem>>, vector<1x1x256xf32>
    %get3A_53 = vector.shape_cast %get3A_52 : vector<1x1x256xf32> to vector<1x256xf32>
    %add3A_54 = vector.broadcast %get3A_53 : vector<1x256xf32> to vector<1000x256xf32>
    %add3A_55 = arith.addf %dot_general3A_48, %add3A_54 : vector<1000x256xf32>
    %add3A_56 = arith.addf %max3A_24, %add3A_55 : vector<1000x256xf32>
    %max3A_57 = arith.constant 0.000000e+00 : f32
    %max3A_58 = vector.broadcast %max3A_57 : f32 to vector<1000x256xf32>
    %max3A_59 = arith.maximumf %add3A_56, %max3A_58 : vector<1000x256xf32>
    %get3A_60 = arith.constant 1 : index
    %get3A_61 = arith.constant 0 : index
    %get3A_62 = arith.constant 0 : index
    %get3A_63 = vector.load %arg6[%get3A_60, %get3A_61, %get3A_62] : memref<3x256x256xf32, #tpu.memory_space<vmem>>, vector<1x256x256xf32>
    %get3A_64 = vector.shape_cast %get3A_63 : vector<1x256x256xf32> to vector<256x256xf32>
    %dot_general3A_65 = arith.constant dense<0.000000e+00> : vector<1000x256xf32>
    %dot_general3A_66 = tpu.matmul %max3A_59, %get3A_64, %dot_general3A_65 {dimension_numbers = #tpu.dot_dimension_numbers<[1], [0], [0], [1], [0, 0, 1, 1], [], []>, transpose_lhs_hint = false} : vector<1000x256xf32>, vector<256x256xf32>, vector<1000x256xf32> -> vector<1000x256xf32>
    %get3A_67 = arith.constant 1 : index
    %get3A_68 = arith.constant 0 : index
    %get3A_69 = arith.constant 0 : index
    %get3A_70 = vector.load %arg7[%get3A_67, %get3A_68, %get3A_69] : memref<3x1x256xf32, #tpu.memory_space<vmem>>, vector<1x1x256xf32>
    %get3A_71 = vector.shape_cast %get3A_70 : vector<1x1x256xf32> to vector<1x256xf32>
    %add3A_72 = vector.broadcast %get3A_71 : vector<1x256xf32> to vector<1000x256xf32>
    %add3A_73 = arith.addf %dot_general3A_66, %add3A_72 : vector<1000x256xf32>
    %max3A_74 = arith.constant 0.000000e+00 : f32
    %max3A_75 = vector.broadcast %max3A_74 : f32 to vector<1000x256xf32>
    %max3A_76 = arith.maximumf %add3A_73, %max3A_75 : vector<1000x256xf32>
    %get3A_77 = arith.constant 1 : index
    %get3A_78 = arith.constant 0 : index
    %get3A_79 = arith.constant 0 : index
    %get3A_80 = vector.load %arg8[%get3A_77, %get3A_78, %get3A_79] : memref<3x256x256xf32, #tpu.memory_space<vmem>>, vector<1x256x256xf32>
    %get3A_81 = vector.shape_cast %get3A_80 : vector<1x256x256xf32> to vector<256x256xf32>
    %dot_general3A_82 = arith.constant dense<0.000000e+00> : vector<1000x256xf32>
    %dot_general3A_83 = tpu.matmul %max3A_76, %get3A_81, %dot_general3A_82 {dimension_numbers = #tpu.dot_dimension_numbers<[1], [0], [0], [1], [0, 0, 1, 1], [], []>, transpose_lhs_hint = false} : vector<1000x256xf32>, vector<256x256xf32>, vector<1000x256xf32> -> vector<1000x256xf32>
    %get3A_84 = arith.constant 1 : index
    %get3A_85 = arith.constant 0 : index
    %get3A_86 = arith.constant 0 : index
    %get3A_87 = vector.load %arg9[%get3A_84, %get3A_85, %get3A_86] : memref<3x1x256xf32, #tpu.memory_space<vmem>>, vector<1x1x256xf32>
    %get3A_88 = vector.shape_cast %get3A_87 : vector<1x1x256xf32> to vector<1x256xf32>
    %add3A_89 = vector.broadcast %get3A_88 : vector<1x256xf32> to vector<1000x256xf32>
    %add3A_90 = arith.addf %dot_general3A_83, %add3A_89 : vector<1000x256xf32>
    %add3A_91 = arith.addf %max3A_59, %add3A_90 : vector<1000x256xf32>
    %max3A_92 = arith.constant 0.000000e+00 : f32
    %max3A_93 = vector.broadcast %max3A_92 : f32 to vector<1000x256xf32>
    %max3A_94 = arith.maximumf %add3A_91, %max3A_93 : vector<1000x256xf32>
    %get3A_95 = arith.constant 2 : index
    %get3A_96 = arith.constant 0 : index
    %get3A_97 = arith.constant 0 : index
    %get3A_98 = vector.load %arg6[%get3A_95, %get3A_96, %get3A_97] : memref<3x256x256xf32, #tpu.memory_space<vmem>>, vector<1x256x256xf32>
    %get3A_99 = vector.shape_cast %get3A_98 : vector<1x256x256xf32> to vector<256x256xf32>
    %dot_general3A_100 = arith.constant dense<0.000000e+00> : vector<1000x256xf32>
    %dot_general3A_101 = tpu.matmul %max3A_94, %get3A_99, %dot_general3A_100 {dimension_numbers = #tpu.dot_dimension_numbers<[1], [0], [0], [1], [0, 0, 1, 1], [], []>, transpose_lhs_hint = false} : vector<1000x256xf32>, vector<256x256xf32>, vector<1000x256xf32> -> vector<1000x256xf32>
    %get3A_102 = arith.constant 2 : index
    %get3A_103 = arith.constant 0 : index
    %get3A_104 = arith.constant 0 : index
    %get3A_105 = vector.load %arg7[%get3A_102, %get3A_103, %get3A_104] : memref<3x1x256xf32, #tpu.memory_space<vmem>>, vector<1x1x256xf32>
    %get3A_106 = vector.shape_cast %get3A_105 : vector<1x1x256xf32> to vector<1x256xf32>
    %add3A_107 = vector.broadcast %get3A_106 : vector<1x256xf32> to vector<1000x256xf32>
    %add3A_108 = arith.addf %dot_general3A_101, %add3A_107 : vector<1000x256xf32>
    %max3A_109 = arith.constant 0.000000e+00 : f32
    %max3A_110 = vector.broadcast %max3A_109 : f32 to vector<1000x256xf32>
    %max3A_111 = arith.maximumf %add3A_108, %max3A_110 : vector<1000x256xf32>
    %get3A_112 = arith.constant 2 : index
    %get3A_113 = arith.constant 0 : index
    %get3A_114 = arith.constant 0 : index
    %get3A_115 = vector.load %arg8[%get3A_112, %get3A_113, %get3A_114] : memref<3x256x256xf32, #tpu.memory_space<vmem>>, vector<1x256x256xf32>
    %get3A_116 = vector.shape_cast %get3A_115 : vector<1x256x256xf32> to vector<256x256xf32>
    %dot_general3A_117 = arith.constant dense<0.000000e+00> : vector<1000x256xf32>
    %dot_general3A_118 = tpu.matmul %max3A_111, %get3A_116, %dot_general3A_117 {dimension_numbers = #tpu.dot_dimension_numbers<[1], [0], [0], [1], [0, 0, 1, 1], [], []>, transpose_lhs_hint = false} : vector<1000x256xf32>, vector<256x256xf32>, vector<1000x256xf32> -> vector<1000x256xf32>
    %get3A_119 = arith.constant 2 : index
    %get3A_120 = arith.constant 0 : index
    %get3A_121 = arith.constant 0 : index
    %get3A_122 = vector.load %arg9[%get3A_119, %get3A_120, %get3A_121] : memref<3x1x256xf32, #tpu.memory_space<vmem>>, vector<1x1x256xf32>
    %get3A_123 = vector.shape_cast %get3A_122 : vector<1x1x256xf32> to vector<1x256xf32>
    %add3A_124 = vector.broadcast %get3A_123 : vector<1x256xf32> to vector<1000x256xf32>
    %add3A_125 = arith.addf %dot_general3A_118, %add3A_124 : vector<1000x256xf32>
    %add3A_126 = arith.addf %max3A_94, %add3A_125 : vector<1000x256xf32>
    %max3A_127 = arith.constant 0.000000e+00 : f32
    %max3A_128 = vector.broadcast %max3A_127 : f32 to vector<1000x256xf32>
    %max3A_129 = arith.maximumf %add3A_126, %max3A_128 : vector<1000x256xf32>
    %get3A_130 = arith.constant 0 : index
    %get3A_131 = arith.constant 0 : index
    %get3A_132 = vector.load %arg10[%get3A_130, %get3A_131] : memref<256x8xf32, #tpu.memory_space<vmem>>, vector<256x8xf32>
    %dot_general3A_133 = arith.constant dense<0.000000e+00> : vector<1000x8xf32>
    %dot_general3A_134 = tpu.matmul %max3A_129, %get3A_132, %dot_general3A_133 {dimension_numbers = #tpu.dot_dimension_numbers<[1], [0], [0], [1], [0, 0, 1, 1], [], []>, transpose_lhs_hint = false} : vector<1000x256xf32>, vector<256x8xf32>, vector<1000x8xf32> -> vector<1000x8xf32>
    %get3A_135 = arith.constant 0 : index
    %get3A_136 = arith.constant 0 : index
    %get3A_137 = vector.load %arg11[%get3A_135, %get3A_136] : memref<1x8xf32, #tpu.memory_space<vmem>>, vector<1x8xf32>
    %add3A_138 = vector.broadcast %get3A_137 : vector<1x8xf32> to vector<1000x8xf32>
    %add3A_139 = arith.addf %dot_general3A_134, %add3A_138 : vector<1000x8xf32>
    %swap3A = arith.constant 0 : index
    %swap3A_140 = arith.constant 0 : index
    %swap3A_141 = vector.load %arg13[%swap3A, %swap3A_140] : memref<1000x8xf32, #tpu.memory_space<vmem>>, vector<1000x8xf32>
    tpu.vector_store %arg13[%swap3A, %swap3A_140], %add3A_139 {strides = array<i32>} : memref<1000x8xf32, #tpu.memory_space<vmem>>, vector<1000x8xf32>,
    %swap3A_142 = arith.constant 0 : index
    %swap3A_143 = arith.constant 0 : index
    %swap3A_144 = vector.load %arg12[%swap3A_142, %swap3A_143] : memref<1000x256xf32, #tpu.memory_space<vmem>>, vector<1000x256xf32>
    tpu.vector_store %arg12[%swap3A_142, %swap3A_143], %max3A_129 {strides = array<i32>} : memref<1000x256xf32, #tpu.memory_space<vmem>>, vector<1000x256xf32>,
    return
  }
  func.func @transform_0(%arg0: i32) -> (i32, i32) {
    %c0_i32 = arith.constant 0 : i32
    %c0_i32_0 = arith.constant 0 : i32
    return %arg0, %c0_i32 : i32, i32
  }
  func.func @transform_1(%arg0: i32) -> (i32, i32) {
    %c0_i32 = arith.constant 0 : i32
    %c0_i32_0 = arith.constant 0 : i32
    %c0_i32_1 = arith.constant 0 : i32
    return %c0_i32, %c0_i32_0 : i32, i32
  }
  func.func @transform_2(%arg0: i32) -> (i32, i32) {
    %c0_i32 = arith.constant 0 : i32
    %c0_i32_0 = arith.constant 0 : i32
    %c0_i32_1 = arith.constant 0 : i32
    return %c0_i32, %c0_i32_0 : i32, i32
  }
  func.func @transform_3(%arg0: i32) -> (i32, i32) {
    %c0_i32 = arith.constant 0 : i32
    %c0_i32_0 = arith.constant 0 : i32
    %c0_i32_1 = arith.constant 0 : i32
    return %c0_i32, %c0_i32_0 : i32, i32
  }
  func.func @transform_4(%arg0: i32) -> (i32, i32) {
    %c0_i32 = arith.constant 0 : i32
    %c0_i32_0 = arith.constant 0 : i32
    %c0_i32_1 = arith.constant 0 : i32
    return %c0_i32, %c0_i32_0 : i32, i32
  }
  func.func @transform_5(%arg0: i32) -> (i32, i32, i32) {
    %c0_i32 = arith.constant 0 : i32
    %c0_i32_0 = arith.constant 0 : i32
    %c0_i32_1 = arith.constant 0 : i32
    %c0_i32_2 = arith.constant 0 : i32
    return %c0_i32, %c0_i32_0, %c0_i32_1 : i32, i32, i32
  }
  func.func @transform_6(%arg0: i32) -> (i32, i32, i32) {
    %c0_i32 = arith.constant 0 : i32
    %c0_i32_0 = arith.constant 0 : i32
    %c0_i32_1 = arith.constant 0 : i32
    %c0_i32_2 = arith.constant 0 : i32
    return %c0_i32, %c0_i32_0, %c0_i32_1 : i32, i32, i32
  }
  func.func @transform_7(%arg0: i32) -> (i32, i32, i32) {
    %c0_i32 = arith.constant 0 : i32
    %c0_i32_0 = arith.constant 0 : i32
    %c0_i32_1 = arith.constant 0 : i32
    %c0_i32_2 = arith.constant 0 : i32
    return %c0_i32, %c0_i32_0, %c0_i32_1 : i32, i32, i32
  }
  func.func @transform_8(%arg0: i32) -> (i32, i32, i32) {
    %c0_i32 = arith.constant 0 : i32
    %c0_i32_0 = arith.constant 0 : i32
    %c0_i32_1 = arith.constant 0 : i32
    %c0_i32_2 = arith.constant 0 : i32
    return %c0_i32, %c0_i32_0, %c0_i32_1 : i32, i32, i32
  }
  func.func @transform_9(%arg0: i32) -> (i32, i32) {
    %c0_i32 = arith.constant 0 : i32
    %c0_i32_0 = arith.constant 0 : i32
    %c0_i32_1 = arith.constant 0 : i32
    return %c0_i32, %c0_i32_0 : i32, i32
  }
  func.func @transform_10(%arg0: i32) -> (i32, i32) {
    %c0_i32 = arith.constant 0 : i32
    %c0_i32_0 = arith.constant 0 : i32
    %c0_i32_1 = arith.constant 0 : i32
    return %c0_i32, %c0_i32_0 : i32, i32
  }
  func.func @transform_11(%arg0: i32) -> (i32, i32) {
    %c0_i32 = arith.constant 0 : i32
    %c0_i32_0 = arith.constant 0 : i32
    return %arg0, %c0_i32 : i32, i32
  }
  func.func @transform_12(%arg0: i32) -> (i32, i32) {
    %c0_i32 = arith.constant 0 : i32
    %c0_i32_0 = arith.constant 0 : i32
    return %arg0, %c0_i32 : i32, i32
  }
}

module attributes {stable_mosaic.version = 14 : i64} {
  func.func @_stage_body(%arg0: i32, %arg1: memref<1000x32xf32, #tpu.memory_space<vmem>>, %arg2: memref<32x128xf32, #tpu.memory_space<vmem>>, %arg3: memref<1x128xf32, #tpu.memory_space<vmem>>, %arg4: memref<128x128xf32, #tpu.memory_space<vmem>>, %arg5: memref<1x128xf32, #tpu.memory_space<vmem>>, %arg6: memref<3x128x128xf32, #tpu.memory_space<vmem>>, %arg7: memref<3x1x128xf32, #tpu.memory_space<vmem>>, %arg8: memref<3x128x128xf32, #tpu.memory_space<vmem>>, %arg9: memref<3x1x128xf32, #tpu.memory_space<vmem>>, %arg10: memref<128x8xf32, #tpu.memory_space<vmem>>, %arg11: memref<1x8xf32, #tpu.memory_space<vmem>>, %arg12: memref<1000x128xf32, #tpu.memory_space<vmem>>, %arg13: memref<1000x8xf32, #tpu.memory_space<vmem>>) attributes {dimension_semantics = [#tpu.dimension_semantics<arbitrary>], iteration_bounds = array<i64: 200>, scalar_prefetch = 0 : i64, scratch_operands = 0 : i64, tpu.core_type = #tpu.core_type<tc>, window_params = [{transform_indices = @transform_0, window_bounds = array<i64: 1000, 32>}, {pipeline_mode = #tpu.pipeline_mode<synchronous>, transform_indices = @transform_1, window_bounds = array<i64: 32, 128>}, {pipeline_mode = #tpu.pipeline_mode<synchronous>, transform_indices = @transform_2, window_bounds = array<i64: 1, 128>}, {pipeline_mode = #tpu.pipeline_mode<synchronous>, transform_indices = @transform_3, window_bounds = array<i64: 128, 128>}, {pipeline_mode = #tpu.pipeline_mode<synchronous>, transform_indices = @transform_4, window_bounds = array<i64: 1, 128>}, {pipeline_mode = #tpu.pipeline_mode<synchronous>, transform_indices = @transform_5, window_bounds = array<i64: 3, 128, 128>}, {pipeline_mode = #tpu.pipeline_mode<synchronous>, transform_indices = @transform_6, window_bounds = array<i64: 3, 1, 128>}, {pipeline_mode = #tpu.pipeline_mode<synchronous>, transform_indices = @transform_7, window_bounds = array<i64: 3, 128, 128>}, {pipeline_mode = #tpu.pipeline_mode<synchronous>, transform_indices = @transform_8, window_bounds = array<i64: 3, 1, 128>}, {pipeline_mode = #tpu.pipeline_mode<synchronous>, transform_indices = @transform_9, window_bounds = array<i64: 128, 8>}, {pipeline_mode = #tpu.pipeline_mode<synchronous>, transform_indices = @transform_10, window_bounds = array<i64: 1, 8>}, {transform_indices = @transform_11, window_bounds = array<i64: 1000, 128>}, {transform_indices = @transform_12, window_bounds = array<i64: 1000, 8>}]} {
    %get3A = arith.constant 0 : index
    %get3A_0 = arith.constant 0 : index
    %get3A_1 = vector.load %arg1[%get3A, %get3A_0] : memref<1000x32xf32, #tpu.memory_space<vmem>>, vector<1000x32xf32>
    %get3A_2 = arith.constant 0 : index
    %get3A_3 = arith.constant 0 : index
    %get3A_4 = vector.load %arg2[%get3A_2, %get3A_3] : memref<32x128xf32, #tpu.memory_space<vmem>>, vector<32x128xf32>
    %dot_general3A = arith.constant dense<0.000000e+00> : vector<1000x128xf32>
    %dot_general3A_5 = tpu.matmul %get3A_1, %get3A_4, %dot_general3A {dimension_numbers = #tpu.dot_dimension_numbers<[1], [0], [0], [1], [0, 0, 1, 1], [], []>, transpose_lhs_hint = false} : vector<1000x32xf32>, vector<32x128xf32>, vector<1000x128xf32> -> vector<1000x128xf32>
    %get3A_6 = arith.constant 0 : index
    %get3A_7 = arith.constant 0 : index
    %get3A_8 = vector.load %arg3[%get3A_6, %get3A_7] : memref<1x128xf32, #tpu.memory_space<vmem>>, vector<1x128xf32>
    %add3A = vector.broadcast %get3A_8 : vector<1x128xf32> to vector<1000x128xf32>
    %add3A_9 = arith.addf %dot_general3A_5, %add3A : vector<1000x128xf32>
    %max3A = arith.constant 0.000000e+00 : f32
    %max3A_10 = vector.broadcast %max3A : f32 to vector<1000x128xf32>
    %max3A_11 = arith.maximumf %add3A_9, %max3A_10 : vector<1000x128xf32>
    %get3A_12 = arith.constant 0 : index
    %get3A_13 = arith.constant 0 : index
    %get3A_14 = vector.load %arg4[%get3A_12, %get3A_13] : memref<128x128xf32, #tpu.memory_space<vmem>>, vector<128x128xf32>
    %dot_general3A_15 = arith.constant dense<0.000000e+00> : vector<1000x128xf32>
    %dot_general3A_16 = tpu.matmul %max3A_11, %get3A_14, %dot_general3A_15 {dimension_numbers = #tpu.dot_dimension_numbers<[1], [0], [0], [1], [0, 0, 1, 1], [], []>, transpose_lhs_hint = false} : vector<1000x128xf32>, vector<128x128xf32>, vector<1000x128xf32> -> vector<1000x128xf32>
    %get3A_17 = arith.constant 0 : index
    %get3A_18 = arith.constant 0 : index
    %get3A_19 = vector.load %arg5[%get3A_17, %get3A_18] : memref<1x128xf32, #tpu.memory_space<vmem>>, vector<1x128xf32>
    %add3A_20 = vector.broadcast %get3A_19 : vector<1x128xf32> to vector<1000x128xf32>
    %add3A_21 = arith.addf %dot_general3A_16, %add3A_20 : vector<1000x128xf32>
    %max3A_22 = arith.constant 0.000000e+00 : f32
    %max3A_23 = vector.broadcast %max3A_22 : f32 to vector<1000x128xf32>
    %max3A_24 = arith.maximumf %add3A_21, %max3A_23 : vector<1000x128xf32>
    %get3A_25 = arith.constant 0 : index
    %get3A_26 = arith.constant 0 : index
    %get3A_27 = arith.constant 0 : index
    %get3A_28 = vector.load %arg6[%get3A_25, %get3A_26, %get3A_27] : memref<3x128x128xf32, #tpu.memory_space<vmem>>, vector<1x128x128xf32>
    %get3A_29 = vector.shape_cast %get3A_28 : vector<1x128x128xf32> to vector<128x128xf32>
    %dot_general3A_30 = arith.constant dense<0.000000e+00> : vector<1000x128xf32>
    %dot_general3A_31 = tpu.matmul %max3A_24, %get3A_29, %dot_general3A_30 {dimension_numbers = #tpu.dot_dimension_numbers<[1], [0], [0], [1], [0, 0, 1, 1], [], []>, transpose_lhs_hint = false} : vector<1000x128xf32>, vector<128x128xf32>, vector<1000x128xf32> -> vector<1000x128xf32>
    %get3A_32 = arith.constant 0 : index
    %get3A_33 = arith.constant 0 : index
    %get3A_34 = arith.constant 0 : index
    %get3A_35 = vector.load %arg7[%get3A_32, %get3A_33, %get3A_34] : memref<3x1x128xf32, #tpu.memory_space<vmem>>, vector<1x1x128xf32>
    %get3A_36 = vector.shape_cast %get3A_35 : vector<1x1x128xf32> to vector<1x128xf32>
    %add3A_37 = vector.broadcast %get3A_36 : vector<1x128xf32> to vector<1000x128xf32>
    %add3A_38 = arith.addf %dot_general3A_31, %add3A_37 : vector<1000x128xf32>
    %max3A_39 = arith.constant 0.000000e+00 : f32
    %max3A_40 = vector.broadcast %max3A_39 : f32 to vector<1000x128xf32>
    %max3A_41 = arith.maximumf %add3A_38, %max3A_40 : vector<1000x128xf32>
    %get3A_42 = arith.constant 0 : index
    %get3A_43 = arith.constant 0 : index
    %get3A_44 = arith.constant 0 : index
    %get3A_45 = vector.load %arg8[%get3A_42, %get3A_43, %get3A_44] : memref<3x128x128xf32, #tpu.memory_space<vmem>>, vector<1x128x128xf32>
    %get3A_46 = vector.shape_cast %get3A_45 : vector<1x128x128xf32> to vector<128x128xf32>
    %dot_general3A_47 = arith.constant dense<0.000000e+00> : vector<1000x128xf32>
    %dot_general3A_48 = tpu.matmul %max3A_41, %get3A_46, %dot_general3A_47 {dimension_numbers = #tpu.dot_dimension_numbers<[1], [0], [0], [1], [0, 0, 1, 1], [], []>, transpose_lhs_hint = false} : vector<1000x128xf32>, vector<128x128xf32>, vector<1000x128xf32> -> vector<1000x128xf32>
    %get3A_49 = arith.constant 0 : index
    %get3A_50 = arith.constant 0 : index
    %get3A_51 = arith.constant 0 : index
    %get3A_52 = vector.load %arg9[%get3A_49, %get3A_50, %get3A_51] : memref<3x1x128xf32, #tpu.memory_space<vmem>>, vector<1x1x128xf32>
    %get3A_53 = vector.shape_cast %get3A_52 : vector<1x1x128xf32> to vector<1x128xf32>
    %add3A_54 = vector.broadcast %get3A_53 : vector<1x128xf32> to vector<1000x128xf32>
    %add3A_55 = arith.addf %dot_general3A_48, %add3A_54 : vector<1000x128xf32>
    %add3A_56 = arith.addf %max3A_24, %add3A_55 : vector<1000x128xf32>
    %max3A_57 = arith.constant 0.000000e+00 : f32
    %max3A_58 = vector.broadcast %max3A_57 : f32 to vector<1000x128xf32>
    %max3A_59 = arith.maximumf %add3A_56, %max3A_58 : vector<1000x128xf32>
    %get3A_60 = arith.constant 1 : index
    %get3A_61 = arith.constant 0 : index
    %get3A_62 = arith.constant 0 : index
    %get3A_63 = vector.load %arg6[%get3A_60, %get3A_61, %get3A_62] : memref<3x128x128xf32, #tpu.memory_space<vmem>>, vector<1x128x128xf32>
    %get3A_64 = vector.shape_cast %get3A_63 : vector<1x128x128xf32> to vector<128x128xf32>
    %dot_general3A_65 = arith.constant dense<0.000000e+00> : vector<1000x128xf32>
    %dot_general3A_66 = tpu.matmul %max3A_59, %get3A_64, %dot_general3A_65 {dimension_numbers = #tpu.dot_dimension_numbers<[1], [0], [0], [1], [0, 0, 1, 1], [], []>, transpose_lhs_hint = false} : vector<1000x128xf32>, vector<128x128xf32>, vector<1000x128xf32> -> vector<1000x128xf32>
    %get3A_67 = arith.constant 1 : index
    %get3A_68 = arith.constant 0 : index
    %get3A_69 = arith.constant 0 : index
    %get3A_70 = vector.load %arg7[%get3A_67, %get3A_68, %get3A_69] : memref<3x1x128xf32, #tpu.memory_space<vmem>>, vector<1x1x128xf32>
    %get3A_71 = vector.shape_cast %get3A_70 : vector<1x1x128xf32> to vector<1x128xf32>
    %add3A_72 = vector.broadcast %get3A_71 : vector<1x128xf32> to vector<1000x128xf32>
    %add3A_73 = arith.addf %dot_general3A_66, %add3A_72 : vector<1000x128xf32>
    %max3A_74 = arith.constant 0.000000e+00 : f32
    %max3A_75 = vector.broadcast %max3A_74 : f32 to vector<1000x128xf32>
    %max3A_76 = arith.maximumf %add3A_73, %max3A_75 : vector<1000x128xf32>
    %get3A_77 = arith.constant 1 : index
    %get3A_78 = arith.constant 0 : index
    %get3A_79 = arith.constant 0 : index
    %get3A_80 = vector.load %arg8[%get3A_77, %get3A_78, %get3A_79] : memref<3x128x128xf32, #tpu.memory_space<vmem>>, vector<1x128x128xf32>
    %get3A_81 = vector.shape_cast %get3A_80 : vector<1x128x128xf32> to vector<128x128xf32>
    %dot_general3A_82 = arith.constant dense<0.000000e+00> : vector<1000x128xf32>
    %dot_general3A_83 = tpu.matmul %max3A_76, %get3A_81, %dot_general3A_82 {dimension_numbers = #tpu.dot_dimension_numbers<[1], [0], [0], [1], [0, 0, 1, 1], [], []>, transpose_lhs_hint = false} : vector<1000x128xf32>, vector<128x128xf32>, vector<1000x128xf32> -> vector<1000x128xf32>
    %get3A_84 = arith.constant 1 : index
    %get3A_85 = arith.constant 0 : index
    %get3A_86 = arith.constant 0 : index
    %get3A_87 = vector.load %arg9[%get3A_84, %get3A_85, %get3A_86] : memref<3x1x128xf32, #tpu.memory_space<vmem>>, vector<1x1x128xf32>
    %get3A_88 = vector.shape_cast %get3A_87 : vector<1x1x128xf32> to vector<1x128xf32>
    %add3A_89 = vector.broadcast %get3A_88 : vector<1x128xf32> to vector<1000x128xf32>
    %add3A_90 = arith.addf %dot_general3A_83, %add3A_89 : vector<1000x128xf32>
    %add3A_91 = arith.addf %max3A_59, %add3A_90 : vector<1000x128xf32>
    %max3A_92 = arith.constant 0.000000e+00 : f32
    %max3A_93 = vector.broadcast %max3A_92 : f32 to vector<1000x128xf32>
    %max3A_94 = arith.maximumf %add3A_91, %max3A_93 : vector<1000x128xf32>
    %get3A_95 = arith.constant 2 : index
    %get3A_96 = arith.constant 0 : index
    %get3A_97 = arith.constant 0 : index
    %get3A_98 = vector.load %arg6[%get3A_95, %get3A_96, %get3A_97] : memref<3x128x128xf32, #tpu.memory_space<vmem>>, vector<1x128x128xf32>
    %get3A_99 = vector.shape_cast %get3A_98 : vector<1x128x128xf32> to vector<128x128xf32>
    %dot_general3A_100 = arith.constant dense<0.000000e+00> : vector<1000x128xf32>
    %dot_general3A_101 = tpu.matmul %max3A_94, %get3A_99, %dot_general3A_100 {dimension_numbers = #tpu.dot_dimension_numbers<[1], [0], [0], [1], [0, 0, 1, 1], [], []>, transpose_lhs_hint = false} : vector<1000x128xf32>, vector<128x128xf32>, vector<1000x128xf32> -> vector<1000x128xf32>
    %get3A_102 = arith.constant 2 : index
    %get3A_103 = arith.constant 0 : index
    %get3A_104 = arith.constant 0 : index
    %get3A_105 = vector.load %arg7[%get3A_102, %get3A_103, %get3A_104] : memref<3x1x128xf32, #tpu.memory_space<vmem>>, vector<1x1x128xf32>
    %get3A_106 = vector.shape_cast %get3A_105 : vector<1x1x128xf32> to vector<1x128xf32>
    %add3A_107 = vector.broadcast %get3A_106 : vector<1x128xf32> to vector<1000x128xf32>
    %add3A_108 = arith.addf %dot_general3A_101, %add3A_107 : vector<1000x128xf32>
    %max3A_109 = arith.constant 0.000000e+00 : f32
    %max3A_110 = vector.broadcast %max3A_109 : f32 to vector<1000x128xf32>
    %max3A_111 = arith.maximumf %add3A_108, %max3A_110 : vector<1000x128xf32>
    %get3A_112 = arith.constant 2 : index
    %get3A_113 = arith.constant 0 : index
    %get3A_114 = arith.constant 0 : index
    %get3A_115 = vector.load %arg8[%get3A_112, %get3A_113, %get3A_114] : memref<3x128x128xf32, #tpu.memory_space<vmem>>, vector<1x128x128xf32>
    %get3A_116 = vector.shape_cast %get3A_115 : vector<1x128x128xf32> to vector<128x128xf32>
    %dot_general3A_117 = arith.constant dense<0.000000e+00> : vector<1000x128xf32>
    %dot_general3A_118 = tpu.matmul %max3A_111, %get3A_116, %dot_general3A_117 {dimension_numbers = #tpu.dot_dimension_numbers<[1], [0], [0], [1], [0, 0, 1, 1], [], []>, transpose_lhs_hint = false} : vector<1000x128xf32>, vector<128x128xf32>, vector<1000x128xf32> -> vector<1000x128xf32>
    %get3A_119 = arith.constant 2 : index
    %get3A_120 = arith.constant 0 : index
    %get3A_121 = arith.constant 0 : index
    %get3A_122 = vector.load %arg9[%get3A_119, %get3A_120, %get3A_121] : memref<3x1x128xf32, #tpu.memory_space<vmem>>, vector<1x1x128xf32>
    %get3A_123 = vector.shape_cast %get3A_122 : vector<1x1x128xf32> to vector<1x128xf32>
    %add3A_124 = vector.broadcast %get3A_123 : vector<1x128xf32> to vector<1000x128xf32>
    %add3A_125 = arith.addf %dot_general3A_118, %add3A_124 : vector<1000x128xf32>
    %add3A_126 = arith.addf %max3A_94, %add3A_125 : vector<1000x128xf32>
    %max3A_127 = arith.constant 0.000000e+00 : f32
    %max3A_128 = vector.broadcast %max3A_127 : f32 to vector<1000x128xf32>
    %max3A_129 = arith.maximumf %add3A_126, %max3A_128 : vector<1000x128xf32>
    %get3A_130 = arith.constant 0 : index
    %get3A_131 = arith.constant 0 : index
    %get3A_132 = vector.load %arg10[%get3A_130, %get3A_131] : memref<128x8xf32, #tpu.memory_space<vmem>>, vector<128x8xf32>
    %dot_general3A_133 = arith.constant dense<0.000000e+00> : vector<1000x8xf32>
    %dot_general3A_134 = tpu.matmul %max3A_129, %get3A_132, %dot_general3A_133 {dimension_numbers = #tpu.dot_dimension_numbers<[1], [0], [0], [1], [0, 0, 1, 1], [], []>, transpose_lhs_hint = false} : vector<1000x128xf32>, vector<128x8xf32>, vector<1000x8xf32> -> vector<1000x8xf32>
    %get3A_135 = arith.constant 0 : index
    %get3A_136 = arith.constant 0 : index
    %get3A_137 = vector.load %arg11[%get3A_135, %get3A_136] : memref<1x8xf32, #tpu.memory_space<vmem>>, vector<1x8xf32>
    %add3A_138 = vector.broadcast %get3A_137 : vector<1x8xf32> to vector<1000x8xf32>
    %add3A_139 = arith.addf %dot_general3A_134, %add3A_138 : vector<1000x8xf32>
    %swap3A = arith.constant 0 : index
    %swap3A_140 = arith.constant 0 : index
    %swap3A_141 = vector.load %arg13[%swap3A, %swap3A_140] : memref<1000x8xf32, #tpu.memory_space<vmem>>, vector<1000x8xf32>
    tpu.vector_store %arg13[%swap3A, %swap3A_140], %add3A_139 {strides = array<i32>} : memref<1000x8xf32, #tpu.memory_space<vmem>>, vector<1000x8xf32>,
    %swap3A_142 = arith.constant 0 : index
    %swap3A_143 = arith.constant 0 : index
    %swap3A_144 = vector.load %arg12[%swap3A_142, %swap3A_143] : memref<1000x128xf32, #tpu.memory_space<vmem>>, vector<1000x128xf32>
    tpu.vector_store %arg12[%swap3A_142, %swap3A_143], %max3A_129 {strides = array<i32>} : memref<1000x128xf32, #tpu.memory_space<vmem>>, vector<1000x128xf32>,
    return
  }
  func.func @transform_0(%arg0: i32) -> (i32, i32) {
    %c0_i32 = arith.constant 0 : i32
    %c0_i32_0 = arith.constant 0 : i32
    return %arg0, %c0_i32 : i32, i32
  }
  func.func @transform_1(%arg0: i32) -> (i32, i32) {
    %c0_i32 = arith.constant 0 : i32
    %c0_i32_0 = arith.constant 0 : i32
    %c0_i32_1 = arith.constant 0 : i32
    return %c0_i32, %c0_i32_0 : i32, i32
  }
  func.func @transform_2(%arg0: i32) -> (i32, i32) {
    %c0_i32 = arith.constant 0 : i32
    %c0_i32_0 = arith.constant 0 : i32
    %c0_i32_1 = arith.constant 0 : i32
    return %c0_i32, %c0_i32_0 : i32, i32
  }
  func.func @transform_3(%arg0: i32) -> (i32, i32) {
    %c0_i32 = arith.constant 0 : i32
    %c0_i32_0 = arith.constant 0 : i32
    %c0_i32_1 = arith.constant 0 : i32
    return %c0_i32, %c0_i32_0 : i32, i32
  }
  func.func @transform_4(%arg0: i32) -> (i32, i32) {
    %c0_i32 = arith.constant 0 : i32
    %c0_i32_0 = arith.constant 0 : i32
    %c0_i32_1 = arith.constant 0 : i32
    return %c0_i32, %c0_i32_0 : i32, i32
  }
  func.func @transform_5(%arg0: i32) -> (i32, i32, i32) {
    %c0_i32 = arith.constant 0 : i32
    %c0_i32_0 = arith.constant 0 : i32
    %c0_i32_1 = arith.constant 0 : i32
    %c0_i32_2 = arith.constant 0 : i32
    return %c0_i32, %c0_i32_0, %c0_i32_1 : i32, i32, i32
  }
  func.func @transform_6(%arg0: i32) -> (i32, i32, i32) {
    %c0_i32 = arith.constant 0 : i32
    %c0_i32_0 = arith.constant 0 : i32
    %c0_i32_1 = arith.constant 0 : i32
    %c0_i32_2 = arith.constant 0 : i32
    return %c0_i32, %c0_i32_0, %c0_i32_1 : i32, i32, i32
  }
  func.func @transform_7(%arg0: i32) -> (i32, i32, i32) {
    %c0_i32 = arith.constant 0 : i32
    %c0_i32_0 = arith.constant 0 : i32
    %c0_i32_1 = arith.constant 0 : i32
    %c0_i32_2 = arith.constant 0 : i32
    return %c0_i32, %c0_i32_0, %c0_i32_1 : i32, i32, i32
  }
  func.func @transform_8(%arg0: i32) -> (i32, i32, i32) {
    %c0_i32 = arith.constant 0 : i32
    %c0_i32_0 = arith.constant 0 : i32
    %c0_i32_1 = arith.constant 0 : i32
    %c0_i32_2 = arith.constant 0 : i32
    return %c0_i32, %c0_i32_0, %c0_i32_1 : i32, i32, i32
  }
  func.func @transform_9(%arg0: i32) -> (i32, i32) {
    %c0_i32 = arith.constant 0 : i32
    %c0_i32_0 = arith.constant 0 : i32
    %c0_i32_1 = arith.constant 0 : i32
    return %c0_i32, %c0_i32_0 : i32, i32
  }
  func.func @transform_10(%arg0: i32) -> (i32, i32) {
    %c0_i32 = arith.constant 0 : i32
    %c0_i32_0 = arith.constant 0 : i32
    %c0_i32_1 = arith.constant 0 : i32
    return %c0_i32, %c0_i32_0 : i32, i32
  }
  func.func @transform_11(%arg0: i32) -> (i32, i32) {
    %c0_i32 = arith.constant 0 : i32
    %c0_i32_0 = arith.constant 0 : i32
    return %arg0, %c0_i32 : i32, i32
  }
  func.func @transform_12(%arg0: i32) -> (i32, i32) {
    %c0_i32 = arith.constant 0 : i32
    %c0_i32_0 = arith.constant 0 : i32
    return %arg0, %c0_i32 : i32, i32
  }
}

</mosaic_0001>

<sc_bundles>
// kernel: gather_offload_async_start.1
scs
__scs_entry_jumppad:
0x0: {  	(pc) =	sbr.rel $0x88, $3  }
0x1: {  	(tag) =	ssettag $0x0;
	lr =	simm.s32 $0x1  }
0x2: {  	[smem:$0x3F82] =	sst lr;
	_ =	strace $0xD0000000  }
0x3: {  	_ = 	snop  }
0x4: {  	_ = 	snop  }
0x5: {  	_ = 	snop  }
0x6: {  	_ = 	snop  }
0x7: {  	_ = 	snop  }
__scs_overlays_trampoline_lowered:
0x8: {  	[smem:$0x3F91] =	sst s0  }
0x9: {  	[smem:$0x3F92] =	sst s1  }
0xa: {  	[smem:$0x3F93] =	sst s2  }
0xb: {  	[smem:$0x3F94] =	sst s3  }
0xc: {  	[smem:$0x3F95] =	sst s4  }
0xd: {  	[smem:$0x3F96] =	sst s5  }
0xe: {  	[smem:$0x3F97] =	sst s6  }
0xf: {  	[smem:$0x3F98] =	sst s7  }
0x10: {  	[smem:$0x3F99] =	sst s8  }
0x11: {  	[smem:$0x3F9A] =	sst s9;
	s0 =	simm.s32 @!p0 $0x0  }
0x12: {  	s1 =	sld [smem:$0x3F80];
	s0 =	simm.s32 @p0 $0x1  }
0x13: {  	[smem:$0x3F9B] =	sst s0;
	s0 =	simm.s32 @!p1 $0x0  }
0x14: {  	s2 =	sld [smem:$0x3F7F];
	s0 =	simm.s32 @p1 $0x1  }
0x15: {  	[smem:$0x3F9C] =	sst s0;
	s0 =	simm.s32 @!p2 $0x0  }
0x16: {  	s3 =	sld [smem:$0x3FDB];
	s0 =	simm.s32 @p2 $0x1  }
0x17: {  	s4 =	simm.s32 $0x1BF5;
	[smem:$0x3F9E] =	sst s0  }
0x18: {  	s0 =	sld [smem:$0x3F81];
	_ =	swait.ge [sflag:s4], $0x0  }
0x19: {  	s7 =	sld [smem:$0x3F82]  }
0x1a: {  	s8 =	sadd.s32 $0xFFFFE003, lr  }
0x1b: {  	s9 =	sadd.s32 $0xFFFFFEF7, lr;
	s5 =	simm.s32 $0xFFFFFFFF;
	p2 =	slt.u32 s8, $0xFFFFF086  }
0x1c: {  	p1 =	slt.u32 s9, $0xF7A;
	s5 =	simm.s32 @!p2 $0x0  }
0x1d: {  	s5 =	simm.s32 @p1 $0x1;
	p0 =	seq.s32 s7, s2  }
0x1e: {  	s7 =	smul.u32 @!p0 $0xF7A, s2;
	p2 =	seq.s32 @!p0 s5, $0x0  }
0x1f: {  	s9 =	smul.u32 $0xF7A, s1;
	s8 =	simm.s32 @!p0 $0x1BF5;
	p2 =	por !p2, p0  }
0x20: {  	[sflag:s8] =	ssyncset.s32 @!p0 $0xFFFFF086;
	s6 =	sadd.s32 @!p0 s3, s7;
	s7 =	simm.s32 @!p0 $0x108  }
0x21: {  	s3 =	sadd.s32 s3, s9;
	s6 =	sadd.s32 @!p0 $0x88, s6;
	s7 =	simm.s32 @p2 $0x1082  }
0x22: {  	[simem:s7], [sflag:s8] =	dma.local @!p0 [hbm:s6], $0xF7A  }
0x23: {  	s9 =	sor.u32 $0xD0000000, s2;
	s6 =	simm.s32 $0x108;
	_ =	swait.ge @!p0 [sflag:s8], $0x0  }
0x24: {  	s3 =	sadd.s32 $0x88, s3;
	s6 =	simm.s32 @!p1 $0x1082;
	[sflag:s4] =	ssyncset.s32 $0xFFFFF086  }
0x25: {  	[simem:s6], [sflag:s4] =	dma.local [hbm:s3], $0xF7A  }
0x26: {  	[smem:$0x3F82] =	sst s1;
	(tag) =	ssettag s2;
	_ =	strace s9  }
0x27: {  	s1 =	sld [smem:$0x3F92]  }
0x28: {  	s2 =	sld [smem:$0x3F93]  }
0x29: {  	s4 =	sld [smem:$0x3F95]  }
0x2a: {  	p0 =	seq.s32 s5, $0x0;
	s5 =	sld [smem:$0x3F96]  }
0x2b: {  	s6 =	sld [smem:$0x3F97]  }
0x2c: {  	s7 =	sld [smem:$0x3F98]  }
0x2d: {  	s3 =	simm.s32 $0x108;
	s8 =	sld [smem:$0x3F99]  }
0x2e: {  	s3 =	simm.s32 @!p0 $0x1082;
	s9 =	sld [smem:$0x3F9A]  }
0x2f: {  	lr =	sadd.s32 s0, s3;
	s0 =	sld [smem:$0x3F91]  }
0x30: {  	s3 =	sld [smem:$0x3F94]  }
0x31: {  	[smem:$0x3F9D] =	sst s10  }
0x32: {  	s10 =	sld [smem:$0x3F9B];
	_ =	sdelay $0x3  }
0x33: {  	p0 =	seq.s32 s10, $0x1;
	s10 =	sld [smem:$0x3F9D];
	_ =	sdelay $0x3  }
0x34: {  	[smem:$0x3F9D] =	sst s10  }
0x35: {  	s10 =	sld [smem:$0x3F9C];
	_ =	sdelay $0x3  }
0x36: {  	p1 =	seq.s32 s10, $0x1;
	s10 =	sld [smem:$0x3F9D];
	_ =	sdelay $0x3  }
0x37: {  	[smem:$0x3F9D] =	sst s10  }
0x38: {  	s10 =	sld [smem:$0x3F9E]  }
0x39: {  	_ = 	snop;
	(pc) =	sbr.ind lr, $3  }
0x3a: {  	_ = 	snop  }
0x3b: {  	_ = 	snop  }
0x3c: {  	p2 =	seq.s32 s10, $0x1;
	s10 =	sld [smem:$0x3F9D]  }
0x3d: {  	_ =	shalt  }
0x3e: {  	_ =	shalt  }
0x3f: {  	_ =	shalt  }
0x40: {  	_ =	shalt  }
0x41: {  	_ =	shalt  }
0x42: {  	_ =	shalt  }
0x43: {  	_ =	shalt  }
0x44: {  	_ =	shalt  }
0x45: {  	_ =	shalt  }
0x46: {  	_ =	shalt  }
0x47: {  	_ =	shalt  }
0x48: {  	_ =	shalt  }
0x49: {  	_ =	shalt  }
0x4a: {  	_ =	shalt  }
0x4b: {  	_ =	shalt  }
0x4c: {  	_ =	shalt  }
0x4d: {  	_ =	shalt  }
0x4e: {  	_ =	shalt  }
0x4f: {  	_ =	shalt  }
0x50: {  	_ =	shalt  }
0x51: {  	_ =	shalt  }
0x52: {  	_ =	shalt  }
0x53: {  	_ =	shalt  }
0x54: {  	_ =	shalt  }
0x55: {  	_ =	shalt  }
0x56: {  	_ =	shalt  }
0x57: {  	_ =	shalt  }
0x58: {  	_ =	shalt  }
0x59: {  	_ =	shalt  }
0x5a: {  	_ =	shalt  }
0x5b: {  	_ =	shalt  }
0x5c: {  	_ =	shalt  }
0x5d: {  	_ =	shalt  }
0x5e: {  	_ =	shalt  }
0x5f: {  	_ =	shalt  }
0x60: {  	_ =	shalt  }
0x61: {  	_ =	shalt  }
0x62: {  	_ =	shalt  }
0x63: {  	_ =	shalt  }
0x64: {  	_ =	shalt  }
0x65: {  	_ =	shalt  }
0x66: {  	_ =	shalt  }
0x67: {  	_ =	shalt  }
0x68: {  	_ =	shalt  }
0x69: {  	_ =	shalt  }
0x6a: {  	_ =	shalt  }
0x6b: {  	_ =	shalt  }
0x6c: {  	_ =	shalt  }
0x6d: {  	_ =	shalt  }
0x6e: {  	_ =	shalt  }
0x6f: {  	_ =	shalt  }
0x70: {  	_ =	shalt  }
0x71: {  	_ =	shalt  }
0x72: {  	_ =	shalt  }
0x73: {  	_ =	shalt  }
0x74: {  	_ =	shalt  }
0x75: {  	_ =	shalt  }
0x76: {  	_ =	shalt  }
0x77: {  	_ =	shalt  }
0x78: {  	_ =	shalt  }
0x79: {  	_ =	shalt  }
0x7a: {  	_ =	shalt  }
0x7b: {  	_ =	shalt  }
0x7c: {  	_ =	shalt  }
0x7d: {  	_ =	shalt  }
0x7e: {  	_ =	shalt  }
0x7f: {  	_ =	shalt  }
0x80: {  	_ =	shalt  }
0x81: {  	_ =	shalt  }
0x82: {  	_ =	shalt  }
0x83: {  	_ =	shalt  }
0x84: {  	_ =	shalt  }
0x85: {  	_ =	shalt  }
0x86: {  	_ =	shalt  }
0x87: {  	_ =	shalt  }
.Lfunc_end0:
.L_simem_size_0:
called_computation.3_lowered:
.L_overlay_start_0:
0x88: {  	s2 =	sld [smem:$0x3FD9]  }
0x89: {  	s3 =	sld [smem:$0x3FFE];
	_ =	sdelay $0x1  }
0x8a: {  	s1 =	srdreg.scid  }
0x8b: {  	s0 =	sand.u32 $0x1, s1  }
0x8c: {  	s14 =	sshll.u32 s0, $0xA;
	s2 =	sadd.s32 s3, s2  }
0x8d: {  	s2 =	sadd.s32 s2, s14  }
0x8e: {  	[smem:$0x3FA9] =	sst s2  }
0x8f: {  	_ = 	snop  }
0x90: {  	s2 =	sld [smem:$0x3FD0];
	_ =	sdelay $0x2  }
0x91: {  	s15 =	simm.s32 $0xA;
	s4 =	simm.s32 $0x10  }
0x92: {  	[smem:s4], [sflag:s15] =	dma.local [hbm:s2], $0x1  }
0x93: {  	_ =	swait.eq [sflag:s15], $0x1  }
0x94: {  	[sflag:s15] =	ssyncset.done $0x0  }
0x95: {  	[sflag:s15] =	ssyncadd.s32 $0xFFFFFFFF  }
0x96: {  	s16 =	sld [smem:$0x13];
	(tm) =	ssettm $0x1  }
0x97: {  	s17 =	sld [smem:$0x3FFB];
	_ =	sdelay $0x3  }
0x98: {  	_ =	strace s17  }
0x99: {  	s3 =	sld [smem:$0x3FFC];
	_ =	sdelay $0x3  }
0x9a: {  	_ =	strace s3  }
0x9b: {  	s3 =	sld [smem:$0x3FFD];
	_ =	sdelay $0x3  }
0x9c: {  	_ =	strace s3  }
0x9d: {  	_ =	strace $0x8FFFFFFF  }
0x9e: {  	s18 =	sld [smem:$0x3FDB];
	_ =	sdelay $0x1  }
0x9f: {  	s19 =	simm.s32 $_scs_section_size  }
0xa0: {  	s5 =	simm.s32 $_size__tile_overlayer_lowered;
	s6 =	simm.s32 $_tile_overlayer_lowered  }
0xa1: {  	s22 =	simm.s32 $0x1BFF;
	s21 =	sshll.u32 s6, $0x1;
	s3 =	sadd.s32 s19, s18  }
0xa2: {  	s7 =	simm.s32 $0x0;
	s20 =	sshll.u32 s5, $0x1;
	s5 =	sadd.s32 s21, s3  }
0xa3: {  	[timem:s7], [sflag:s22] =	dma.local [hbm:s5], s20  }
0xa4: {  	_ =	swait.ge [sflag:s22], s20  }
0xa5: {  	s4 =	ssub.s32 $0x0, s20;
	[sflag:s22] =	ssyncset.done $0x0  }
0xa6: {  	[sflag:s22] =	ssyncadd.s32 s4;
	_ =	sdelay $0x1  }
0xa7: {  	s23 =	simm.s32 $0x1B8B  }
0xa8: {  	_ =	swait.ge [sflag:s23], $0x1  }
0xa9: {  	[sflag:s23] =	ssyncset.done $0x0  }
0xaa: {  	s25 =	simm.s32 $0x1B8E;
	s24 =	sld [smem:$0x3FFE];
	[sflag:s23] =	ssyncadd.s32 $0xFFFFFFFF  }
0xab: {  	s26 =	simm.s32 $execute0_lowered;
	[smem:$0x3FD2] =	sst s25  }
0xac: {  	s5 =	sshll.u32 s26, $0x1;
	_ =	strace $0x8000004C;
	[dreg:$0x1] =	wrdreg $0xFFFFFFFF  }
0xad: {  	s28 =	simm.s32 $_size_execute0_lowered;
	s3 =	sadd.s32 s3, s5;
	[dreg:$0x0] =	wrdreg $0x0  }
0xae: {  	s5 =	sshll.u32 s28, $0x1;
	[dreg:$0x2] =	wrdreg s3  }
0xaf: {  	[dreg:$0x3] =	wrdreg s5  }
0xb0: {  	[dreg:$0x4] =	wrdreg $0xC0  }
0xb1: {  	_ =	task [dreg:s7], $0x5FFFF  }
0xb2: {  	[dreg:$0x1] =	wrdreg $0xFFFFFFFF  }
0xb3: {  	[dreg:$0x0] =	wrdreg $0x60  }
0xb4: {  	[dreg:$0x2] =	wrdreg s24  }
0xb5: {  	[dreg:$0x3] =	wrdreg s16  }
0xb6: {  	[dreg:$0x4] =	wrdreg $0x9  }
0xb7: {  	_ =	task.clear_ibuf [dreg:s7], $0x5FFFF;
	_ =	strace $0x9000004C  }
0xb8: {  	s29 =	simm.s32 $0x9;
	_ =	strace $0x8000004E  }
0xb9: {  	_ =	swait.ge [sflag:s29], $0x1  }
0xba: {  	[sflag:s29] =	ssyncadd.s32 $0xFFFFFFFF  }
0xbb: {  	_ =	strace $0x9000004E  }
0xbc: {  	_ =	sfence  }
0xbd: {  	s30 =	sld [smem:$0x0];
	_ =	sdelay $0x2  }
0xbe: {  	s31 =	sshll.u32 s1, $0xD;
	s1 =	sshrl.u32 s1, $0x2  }
0xbf: {  	s3 =	sand.u32 $0x4000, s31;
	s1 =	sadd.s32 s1, s30  }
0xc0: {  	s0 =	sor.u32 s3, s0;
	s1 =	sshll.u32 s1, $0x11  }
0xc1: {  	s0 =	sor.u32 s1, s0  }
0xc2: {  	s0 =	sadd.s32 $0x8F2B, s0  }
0xc3: {  	[sflag:s0] =	ssyncadd.remote.s32 $0x1  }
0xc4: {  	_ =	sfence.sel $0xFFFF  }
0xc5: {  	[dreg:$0x0] =	wrdreg $0xFFFFFFFF;
	(pc) =	sbr.abs _section_cstart, $3  }
0xc6: {  	[dreg:$0x1] =	wrdreg $0xFFFFFFFF  }
0xc7: {  	_ =	task.clear_ibuf [dreg:s7], $0x2FFFF;
	_ =	strace $0x9FFFFFFF  }
0xc8: {  	(tm) =	ssettm $0x7FFFFFFF  }
0xc9: {  	_ =	shalt  }
tec
execute0_lowered:
.L_overlay_start_1:
0x0: {  	(tag) =	ssettag $0x1  }
0x1: {  	s11 =	rddreg [dreg:$0x0]  }
0x2: {  	s2 =	rddreg [dreg:$0x1];
	s3 =	srdreg.scid  }
0x3: {  	s0 =	rddreg [dreg:$0x2];
	s1 =	stileid.u32  }
0x4: {  	_ =	strace $0x8000004D;
	s4 =	simm.s32 $0x1;
	s10 =	simm.s32 $0x3  }
0x5: {  	s13 =	simm.s32 $0x0;
	s16 =	simm.s32 $0x0;
	s3 =	sshll.u32 s3, $0x7  }
0x6: {  	s15 =	simm.s32 $0x0;
	s5 =	sshll.u32 s1, $0x8;
	s6 =	sand.u32 $0x80, s3  }
0x7: {  	[sflag:s4] =	ssyncpa.u1 $0x0;
	s7 =	sadd.s32 $0x30D600, s11;
	s5 =	sor.u32 s5, s6  }
0x8: {  	s3 =	sadd.s32 $0x200, s11;
	s6 =	simm.s32 $0x2;
	s8 =	ssub.s32 $0x30D80, s5  }
.Ltmp0:
0x9: {  	[sflag:s6] =	ssyncpa.u1 $0x0;
	s9 =	sand.u32 $0xF80, s8;
	(pc) =	sbr.rel .LBB2_1-.Ltmp0, $4  }
0xa: {  	s14 =	smov.u32 s5;
	p0 =	sne.s32 s9, $0x0;
	s9 =	simm.s32 $0x1  }
0xb: {  	[sflag:s10] =	ssyncpa.u1 $0x0;
	s8 =	sshrl.u32 s8, $0xC;
	s9 =	simm.s32 @!p0 $0x0  }
0xc: {  	s10 =	sadd.s32 $0x36F100, s11;
	p0 =	por $0x0, $0x0;
	s8 =	sadd.s32 s9, s8  }
0xd: {  	vm0 =	vmmov $0xffff;
	v0 =	vlaneseq.u32;
	s9 =	sadd.s32 $0x33E380, s11;
	s11 =	sadd.s32 $0x39FE80, s11;
	s12 =	sadd.s32 $0x1, s8  }
.LBB2_4:
0xe: {  	_ =	sdelay $0x3  }
0xf: {  	[tilespmem:s21], [sflag:$0x1] =	stream.indirect_vreg.gather [hbm4b:s3+s13], $0x1, v1, vm0, $0x4038;
	[tilespmem:$0x2100] =	vst v63  }
0x10: {  	v1 =	vld.msk [tilespmem:s24+$0x0 ss:$0x1], $0xffff;
	_ =	sdelay $0x4  }
0x11: {  	vm1 =	vgt.s32 v1, $0x0  }
0x12: {  	p1 =	sgt.s32 s19, $0x0;
	v1 =	vnsel vm1, $0x0, v1  }
0x13: {  	s19 =	simm.s32 @!p1 $0x0;
	v1 =	vmin.u32 v1, $0xC34FF  }
0x14: {  	s19 =	smin.u32 s19, $0x10;
	v2 =	vshll.u32 v1, $0x3  }
0x15: {  	v3 =	vmov s19;
	v1 =	vand.u32 $0x7F, v1;
	v2 =	vand.u32 $0x7FFC00, v2  }
0x16: {  	vm1 =	vgt.u32 v3, v0;
	v1 =	vor.u32 v1, v2  }
0x17: {  	v2 =	vnsel vm1, $0x7FFFFFFF, v1;
	_ =	sdelay $0x1  }
0x18: {  	v3 =	vor.u32 $0x80, v1  }
0x19: {  	(ifvalue) =	ssetifvalue $0x7FFFFFFF;
	s22 =	rddreg [dreg:$0x4];
	v3 =	vnsel vm1, $0x7FFFFFFF, v3  }
0x1a: {  	(ifvalue) =	ssetifvalue $0x7FFFFFFF;
	s19 =	sadd.s32 s23, s22  }
0x1b: {  	v4 =	vor.u32 $0x100, v1;
	[tilespmem:s19], [sflag:$0x1] =	stream.indirect_vreg.gather [hbm4b:s3+s13], $0x1, v2, vm0, $0x4038;
	[tilespmem:$0x2100] =	vst v63  }
0x1c: {  	(ifvalue) =	ssetifvalue $0x7FFFFFFF;
	v2 =	vnsel vm1, $0x7FFFFFFF, v4  }
0x1d: {  	s20 =	sadd.s32 $0x80, s19;
	(ifvalue) =	ssetifvalue $0x7FFFFFFF  }
0x1e: {  	v36 =	vor.u32 $0x180, v1;
	[tilespmem:s20], [sflag:$0x1] =	stream.indirect_vreg.gather [hbm4b:s3+s13], $0x1, v3, vm0, $0x4038;
	[tilespmem:$0x2100] =	vst v63  }
0x1f: {  	v3 =	vnsel vm1, $0x7FFFFFFF, v36;
	(ifvalue) =	ssetifvalue $0x7FFFFFFF  }
0x20: {  	s24 =	sadd.s32 $0x100, s19;
	(ifvalue) =	ssetifvalue $0x7FFFFFFF  }
0x21: {  	v37 =	vor.u32 $0x200, v1;
	[tilespmem:s24], [sflag:$0x1] =	stream.indirect_vreg.gather [hbm4b:s3+s13], $0x1, v2, vm0, $0x4038;
	[tilespmem:$0x2100] =	vst v63  }
0x22: {  	(ifvalue) =	ssetifvalue $0x7FFFFFFF;
	v2 =	vnsel vm1, $0x7FFFFFFF, v37  }
0x23: {  	s25 =	sadd.s32 $0x180, s19;
	(ifvalue) =	ssetifvalue $0x7FFFFFFF  }
0x24: {  	v38 =	vor.u32 $0x280, v1;
	[tilespmem:s25], [sflag:$0x1] =	stream.indirect_vreg.gather [hbm4b:s3+s13], $0x1, v3, vm0, $0x4038;
	[tilespmem:$0x2100] =	vst v63  }
0x25: {  	v3 =	vnsel vm1, $0x7FFFFFFF, v38;
	(ifvalue) =	ssetifvalue $0x7FFFFFFF  }
0x26: {  	s26 =	sadd.s32 $0x200, s19;
	(ifvalue) =	ssetifvalue $0x7FFFFFFF  }
0x27: {  	v39 =	vor.u32 $0x300, v1;
	[tilespmem:s26], [sflag:$0x1] =	stream.indirect_vreg.gather [hbm4b:s3+s13], $0x1, v2, vm0, $0x4038;
	[tilespmem:$0x2100] =	vst v63  }
0x28: {  	(ifvalue) =	ssetifvalue $0x7FFFFFFF;
	v2 =	vnsel vm1, $0x7FFFFFFF, v39  }
0x29: {  	s28 =	sadd.s32 $0x280, s19;
	(ifvalue) =	ssetifvalue $0x7FFFFFFF  }
0x2a: {  	v40 =	vor.u32 $0x380, v1;
	[tilespmem:s28], [sflag:$0x1] =	stream.indirect_vreg.gather [hbm4b:s3+s13], $0x1, v3, vm0, $0x4038;
	[tilespmem:$0x2100] =	vst v63  }
0x2b: {  	v3 =	vnsel vm1, $0x7FFFFFFF, v40;
	(ifvalue) =	ssetifvalue $0x7FFFFFFF  }
0x2c: {  	s29 =	sadd.s32 $0x300, s19;
	(ifvalue) =	ssetifvalue $0x7FFFFFFF  }
0x2d: {  	v41 =	vadd.s32 $0x61A800, v1;
	[tilespmem:s29], [sflag:$0x1] =	stream.indirect_vreg.gather [hbm4b:s3+s13], $0x1, v2, vm0, $0x4038;
	[tilespmem:$0x2100] =	vst v63  }
0x2e: {  	(ifvalue) =	ssetifvalue $0x7FFFFFFF;
	v2 =	vnsel vm1, $0x7FFFFFFF, v41  }
0x2f: {  	s30 =	sadd.s32 $0x380, s19;
	(ifvalue) =	ssetifvalue $0x7FFFFFFF  }
0x30: {  	v42 =	vadd.s32 $0x61A880, v1;
	[tilespmem:s30], [sflag:$0x1] =	stream.indirect_vreg.gather [hbm4b:s3+s13], $0x1, v3, vm0, $0x4038;
	[tilespmem:$0x2100] =	vst v63  }
0x31: {  	v3 =	vnsel vm1, $0x7FFFFFFF, v42;
	(ifvalue) =	ssetifvalue $0x7FFFFFFF  }
0x32: {  	s31 =	sadd.s32 $0x400, s19;
	(ifvalue) =	ssetifvalue $0x7FFFFFFF  }
0x33: {  	v43 =	vadd.s32 $0x61A900, v1;
	[tilespmem:s31], [sflag:$0x1] =	stream.indirect_vreg.gather [hbm4b:s3+s13], $0x1, v2, vm0, $0x4038;
	[tilespmem:$0x2100] =	vst v63  }
0x34: {  	(ifvalue) =	ssetifvalue $0x7FFFFFFF;
	v2 =	vnsel vm1, $0x7FFFFFFF, v43  }
0x35: {  	s21 =	sadd.s32 $0x480, s19;
	(ifvalue) =	ssetifvalue $0x7FFFFFFF  }
0x36: {  	v44 =	vadd.s32 $0x61A980, v1;
	[tilespmem:s21], [sflag:$0x1] =	stream.indirect_vreg.gather [hbm4b:s3+s13], $0x1, v3, vm0, $0x4038;
	[tilespmem:$0x2100] =	vst v63  }
0x37: {  	v3 =	vnsel vm1, $0x7FFFFFFF, v44;
	(ifvalue) =	ssetifvalue $0x7FFFFFFF  }
0x38: {  	s22 =	sadd.s32 $0x500, s19;
	(ifvalue) =	ssetifvalue $0x7FFFFFFF  }
0x39: {  	v45 =	vadd.s32 $0x61AA00, v1;
	[tilespmem:s22], [sflag:$0x1] =	stream.indirect_vreg.gather [hbm4b:s3+s13], $0x1, v2, vm0, $0x4038;
	[tilespmem:$0x2100] =	vst v63  }
0x3a: {  	(ifvalue) =	ssetifvalue $0x7FFFFFFF;
	v2 =	vnsel vm1, $0x7FFFFFFF, v45  }
0x3b: {  	s23 =	sadd.s32 $0x580, s19;
	(ifvalue) =	ssetifvalue $0x7FFFFFFF  }
0x3c: {  	v46 =	vadd.s32 $0x61AA80, v1;
	[tilespmem:s23], [sflag:$0x1] =	stream.indirect_vreg.gather [hbm4b:s3+s13], $0x1, v3, vm0, $0x4038;
	[tilespmem:$0x2100] =	vst v63  }
0x3d: {  	v3 =	vnsel vm1, $0x7FFFFFFF, v46;
	(ifvalue) =	ssetifvalue $0x7FFFFFFF  }
0x3e: {  	s24 =	sadd.s32 $0x600, s19;
	(ifvalue) =	ssetifvalue $0x7FFFFFFF  }
0x3f: {  	v47 =	vadd.s32 $0x61AB00, v1;
	[tilespmem:s24], [sflag:$0x1] =	stream.indirect_vreg.gather [hbm4b:s3+s13], $0x1, v2, vm0, $0x4038;
	[tilespmem:$0x2100] =	vst v63  }
0x40: {  	(ifvalue) =	ssetifvalue $0x7FFFFFFF;
	v2 =	vnsel vm1, $0x7FFFFFFF, v47  }
0x41: {  	s25 =	sadd.s32 $0x680, s19;
	(ifvalue) =	ssetifvalue $0x7FFFFFFF  }
0x42: {  	v48 =	vadd.s32 $0x61AB80, v1;
	[tilespmem:s25], [sflag:$0x1] =	stream.indirect_vreg.gather [hbm4b:s3+s13], $0x1, v3, vm0, $0x4038;
	[tilespmem:$0x2100] =	vst v63  }
0x43: {  	v3 =	vnsel vm1, $0x7FFFFFFF, v48;
	(ifvalue) =	ssetifvalue $0x7FFFFFFF  }
0x44: {  	s26 =	sadd.s32 $0x700, s19;
	(ifvalue) =	ssetifvalue $0x7FFFFFFF  }
0x45: {  	v49 =	vadd.s32 $0xC35000, v1;
	[tilespmem:s26], [sflag:$0x1] =	stream.indirect_vreg.gather [hbm4b:s3+s13], $0x1, v2, vm0, $0x4038;
	[tilespmem:$0x2100] =	vst v63  }
0x46: {  	(ifvalue) =	ssetifvalue $0x7FFFFFFF;
	v2 =	vnsel vm1, $0x7FFFFFFF, v49  }
0x47: {  	s28 =	sadd.s32 $0x780, s19;
	(ifvalue) =	ssetifvalue $0x7FFFFFFF  }
0x48: {  	v50 =	vadd.s32 $0xC35080, v1;
	[tilespmem:s28], [sflag:$0x1] =	stream.indirect_vreg.gather [hbm4b:s3+s13], $0x1, v3, vm0, $0x4038;
	[tilespmem:$0x2100] =	vst v63  }
0x49: {  	v3 =	vnsel vm1, $0x7FFFFFFF, v50;
	(ifvalue) =	ssetifvalue $0x7FFFFFFF  }
0x4a: {  	s29 =	sadd.s32 $0x800, s19;
	(ifvalue) =	ssetifvalue $0x7FFFFFFF  }
0x4b: {  	v51 =	vadd.s32 $0xC35100, v1;
	[tilespmem:s29], [sflag:$0x1] =	stream.indirect_vreg.gather [hbm4b:s3+s13], $0x1, v2, vm0, $0x4038;
	[tilespmem:$0x2100] =	vst v63  }
0x4c: {  	(ifvalue) =	ssetifvalue $0x7FFFFFFF;
	v2 =	vnsel vm1, $0x7FFFFFFF, v51  }
0x4d: {  	s30 =	sadd.s32 $0x880, s19;
	(ifvalue) =	ssetifvalue $0x7FFFFFFF  }
0x4e: {  	v52 =	vadd.s32 $0xC35180, v1;
	[tilespmem:s30], [sflag:$0x1] =	stream.indirect_vreg.gather [hbm4b:s3+s13], $0x1, v3, vm0, $0x4038;
	[tilespmem:$0x2100] =	vst v63  }
0x4f: {  	v3 =	vnsel vm1, $0x7FFFFFFF, v52;
	(ifvalue) =	ssetifvalue $0x7FFFFFFF  }
0x50: {  	s31 =	sadd.s32 $0x900, s19;
	(ifvalue) =	ssetifvalue $0x7FFFFFFF  }
0x51: {  	v53 =	vadd.s32 $0xC35200, v1;
	[tilespmem:s31], [sflag:$0x1] =	stream.indirect_vreg.gather [hbm4b:s3+s13], $0x1, v2, vm0, $0x4038;
	[tilespmem:$0x2100] =	vst v63  }
0x52: {  	(ifvalue) =	ssetifvalue $0x7FFFFFFF;
	v2 =	vnsel vm1, $0x7FFFFFFF, v53  }
0x53: {  	s21 =	sadd.s32 $0x980, s19;
	(ifvalue) =	ssetifvalue $0x7FFFFFFF  }
0x54: {  	v54 =	vadd.s32 $0xC35280, v1;
	[tilespmem:s21], [sflag:$0x1] =	stream.indirect_vreg.gather [hbm4b:s3+s13], $0x1, v3, vm0, $0x4038;
	[tilespmem:$0x2100] =	vst v63  }
0x55: {  	v3 =	vnsel vm1, $0x7FFFFFFF, v54;
	(ifvalue) =	ssetifvalue $0x7FFFFFFF  }
0x56: {  	s22 =	sadd.s32 $0xA00, s19;
	(ifvalue) =	ssetifvalue $0x7FFFFFFF  }
0x57: {  	v55 =	vadd.s32 $0xC35300, v1;
	[tilespmem:s22], [sflag:$0x1] =	stream.indirect_vreg.gather [hbm4b:s3+s13], $0x1, v2, vm0, $0x4038;
	[tilespmem:$0x2100] =	vst v63  }
0x58: {  	(ifvalue) =	ssetifvalue $0x7FFFFFFF;
	v2 =	vnsel vm1, $0x7FFFFFFF, v55  }
0x59: {  	s23 =	sadd.s32 $0xA80, s19;
	(ifvalue) =	ssetifvalue $0x7FFFFFFF  }
0x5a: {  	v56 =	vadd.s32 $0xC35380, v1;
	[tilespmem:s23], [sflag:$0x1] =	stream.indirect_vreg.gather [hbm4b:s3+s13], $0x1, v3, vm0, $0x4038;
	[tilespmem:$0x2100] =	vst v63  }
0x5b: {  	v3 =	vnsel vm1, $0x7FFFFFFF, v56;
	(ifvalue) =	ssetifvalue $0x7FFFFFFF  }
0x5c: {  	s24 =	sadd.s32 $0xB00, s19;
	(ifvalue) =	ssetifvalue $0x7FFFFFFF  }
0x5d: {  	v57 =	vadd.s32 $0x124F800, v1;
	[tilespmem:s24], [sflag:$0x1] =	stream.indirect_vreg.gather [hbm4b:s3+s13], $0x1, v2, vm0, $0x4038;
	[tilespmem:$0x2100] =	vst v63  }
0x5e: {  	(ifvalue) =	ssetifvalue $0x7FFFFFFF;
	v2 =	vnsel vm1, $0x7FFFFFFF, v57  }
0x5f: {  	s25 =	sadd.s32 $0xB80, s19;
	(ifvalue) =	ssetifvalue $0x7FFFFFFF  }
0x60: {  	v58 =	vadd.s32 $0x124F880, v1;
	[tilespmem:s25], [sflag:$0x1] =	stream.indirect_vreg.gather [hbm4b:s3+s13], $0x1, v3, vm0, $0x4038;
	[tilespmem:$0x2100] =	vst v63  }
0x61: {  	v3 =	vnsel vm1, $0x7FFFFFFF, v58;
	(ifvalue) =	ssetifvalue $0x7FFFFFFF  }
0x62: {  	s26 =	sadd.s32 $0xC00, s19;
	(ifvalue) =	ssetifvalue $0x7FFFFFFF  }
0x63: {  	v59 =	vadd.s32 $0x124F900, v1;
	[tilespmem:s26], [sflag:$0x1] =	stream.indirect_vreg.gather [hbm4b:s3+s13], $0x1, v2, vm0, $0x4038;
	[tilespmem:$0x2100] =	vst v63  }
0x64: {  	(ifvalue) =	ssetifvalue $0x7FFFFFFF;
	v2 =	vnsel vm1, $0x7FFFFFFF, v59  }
0x65: {  	s28 =	sadd.s32 $0xC80, s19;
	(ifvalue) =	ssetifvalue $0x7FFFFFFF  }
0x66: {  	v60 =	vadd.s32 $0x124F980, v1;
	[tilespmem:s28], [sflag:$0x1] =	stream.indirect_vreg.gather [hbm4b:s3+s13], $0x1, v3, vm0, $0x4038;
	[tilespmem:$0x2100] =	vst v63  }
0x67: {  	v3 =	vnsel vm1, $0x7FFFFFFF, v60;
	(ifvalue) =	ssetifvalue $0x7FFFFFFF  }
0x68: {  	s29 =	sadd.s32 $0xD00, s19;
	(ifvalue) =	ssetifvalue $0x7FFFFFFF  }
0x69: {  	v61 =	vadd.s32 $0x124FA00, v1;
	[tilespmem:s29], [sflag:$0x1] =	stream.indirect_vreg.gather [hbm4b:s3+s13], $0x1, v2, vm0, $0x4038;
	[tilespmem:$0x2100] =	vst v63  }
0x6a: {  	(ifvalue) =	ssetifvalue $0x7FFFFFFF;
	v2 =	vnsel vm1, $0x7FFFFFFF, v61  }
0x6b: {  	s30 =	sadd.s32 $0xD80, s19;
	(ifvalue) =	ssetifvalue $0x7FFFFFFF  }
0x6c: {  	v62 =	vadd.s32 $0x124FA80, v1;
	[tilespmem:s30], [sflag:$0x1] =	stream.indirect_vreg.gather [hbm4b:s3+s13], $0x1, v3, vm0, $0x4038;
	[tilespmem:$0x2100] =	vst v63  }
0x6d: {  	v3 =	vnsel vm1, $0x7FFFFFFF, v62;
	(ifvalue) =	ssetifvalue $0x7FFFFFFF  }
0x6e: {  	s31 =	sadd.s32 $0xE00, s19;
	(ifvalue) =	ssetifvalue $0x7FFFFFFF  }
0x6f: {  	v63 =	vadd.s32 $0x124FB00, v1;
	[tilespmem:s31], [sflag:$0x1] =	stream.indirect_vreg.gather [hbm4b:s3+s13], $0x1, v2, vm0, $0x4038;
	[tilespmem:$0x2100] =	vst v63  }
0x70: {  	(ifvalue) =	ssetifvalue $0x7FFFFFFF;
	v2 =	vnsel vm1, $0x7FFFFFFF, v63  }
0x71: {  	s21 =	sadd.s32 $0xE80, s19;
	(ifvalue) =	ssetifvalue $0x7FFFFFFF  }
0x72: {  	v1 =	vadd.s32 $0x124FB80, v1;
	[tilespmem:s21], [sflag:$0x1] =	stream.indirect_vreg.gather [hbm4b:s3+s13], $0x1, v3, vm0, $0x4038;
	[tilespmem:$0x2100] =	vst v63  }
0x73: {  	v1 =	vnsel vm1, $0x7FFFFFFF, v1;
	(ifvalue) =	ssetifvalue $0x7FFFFFFF  }
0x74: {  	s22 =	sadd.s32 $0xF00, s19;
	(ifvalue) =	ssetifvalue $0x7FFFFFFF  }
0x75: {  	[tilespmem:s22], [sflag:$0x1] =	stream.indirect_vreg.gather [hbm4b:s3+s13], $0x1, v2, vm0, $0x4038;
	[tilespmem:$0x2100] =	vst v63  }
0x76: {  	(ifvalue) =	ssetifvalue $0x7FFFFFFF  }
0x77: {  	s19 =	sadd.s32 $0xF80, s19;
	s23 =	sshll.u32 s16, $0x3;
	(ifvalue) =	ssetifvalue $0x7FFFFFFF  }
0x78: {  	[tilespmem:s19], [sflag:$0x1] =	stream.indirect_vreg.gather [hbm4b:s3+s13], $0x1, v1, vm0, $0x4038;
	[tilespmem:$0x2100] =	vst v63  }
0x79: {  	s24 =	sand.u32 $0x78, s16;
	s19 =	sand.u32 $0xFFFFFC00, s23  }
0x7a: {  	_ =	swait.ge [sflag:s4], $0x1000;
	s16 =	sor.u32 s24, s19  }
0x7b: {  	[sflag:s4] =	ssyncset.done $0x0;
	s16 =	sshrl.u32 s16, $0x3  }
0x7c: {  	[sflag:s4] =	ssyncadd.s32 $0xFFFFF000;
	s25 =	sadd.s32 s7, s16  }
0x7d: {  	[hbm:s25] =	stream.linear.scatter [tilespmem:s18], [sflag:$0x3], $0x400, $0x38;
	[tilespmem:$0x2100] =	vst v63  }
0x7e: {  	s26 =	sadd.s32 $0x500, s17;
	s28 =	sadd.s32 s16, s9  }
0x7f: {  	[hbm:s28] =	stream.linear.scatter [tilespmem:s26], [sflag:$0x3], $0x400, $0x38;
	[tilespmem:$0x2100] =	vst v63  }
0x80: {  	s29 =	sadd.s32 $0x900, s17;
	s30 =	sadd.s32 s16, s10  }
0x81: {  	[hbm:s30] =	stream.linear.scatter [tilespmem:s29], [sflag:$0x3], $0x400, $0x38;
	[tilespmem:$0x2100] =	vst v63  }
0x82: {  	s31 =	sadd.s32 $0xD00, s17;
	s16 =	sadd.s32 s16, s11  }
0x83: {  	[hbm:s16] =	stream.linear.scatter [tilespmem:s31], [sflag:$0x3], $0x400, $0x38;
	[tilespmem:$0x2100] =	vst v63  }
.LBB2_5:
0x84: {  	s18 =	sadd.s32 $0x1000, s14  }
0x85: {  	p2 =	sgt.s32 s18, $0x30D7F  }
0x86: {  	s18 =	smov.u32 @p2 s5;
	p2 =	sne.s32 s15, s12  }
.Ltmp1:
0x87: {  	p1 =	slt.u32 s15, $0x2;
	(pc) =	sbr.rel @!p2 .LBB2_6-.Ltmp1, $4  }
0x88: {  	s17 =	simm.s32 @!p1 $0x3  }
0x89: {  	s19 =	sadd.s32 $0x1, s15;
	_ =	swait.ge @!p1 [sflag:s17], $0x1000  }
0x8a: {  	s16 =	smov.u32 s14;
	p0 =	por !p0, !p0;
	[sflag:s17] =	ssyncset.done @!p1 $0x0  }
0x8b: {  	s15 =	smov.u32 s19;
	s14 =	smov.u32 s18;
	[sflag:s17] =	ssyncadd.s32 @!p1 $0xFFFFF000  }
.LBB2_1:
0x8c: {  	p1 =	sge.u32 s15, s8  }
0x8d: {  	s17 =	sxor.u32 @!p1 $0xFFFFFFFF, s15  }
0x8e: {  	s31 =	sadd.s32 $0xFFFFFFFF, s15;
	s18 =	sshrl.u32 @!p1 s14, $0x3;
	s17 =	sshll.u32 @!p1 s17, $0x7  }
0x8f: {  	s19 =	sand.u32 @!p1 $0x7, s14;
	s18 =	sadd.s32 @!p1 s2, s18;
	s17 =	sand.u32 @!p1 $0x80, s17  }
0x90: {  	[tilespmem:s17], [sflag:$0x2] =	stream.linear.gather @!p1 [hbm4b:s18+s19], $0x80, $0x38;
	[tilespmem:$0x2100] =	vst v63  }
0x91: {  	p1 =	sge.u32 s31, s8  }
.Ltmp2:
0x92: {  	_ = 	snop;
	(pc) =	sbr.rel @p1 .LBB2_5-.Ltmp2, $1  }
0x93: {  	_ =	sdelay $0x3  }
0x94: {  	s17 =	simm.s32 $0x1  }
0x95: {  	s17 =	simm.s32 @!p0 $0x0  }
0x96: {  	s18 =	sshll.u32 s17, $0xC;
	s17 =	sshll.u32 s17, $0x7  }
0x97: {  	s18 =	sor.u32 $0x100, s18;
	[dreg:$0x3] =	wrdreg s17  }
0x98: {  	[dreg:$0x4] =	wrdreg s18  }
0x99: {  	_ =	swait.ge [sflag:s6], $0x80  }
0x9a: {  	s22 =	rddreg [dreg:$0x3];
	[sflag:s6] =	ssyncset.done $0x0  }
0x9b: {  	[sflag:s6] =	ssyncadd.s32 $0xFFFFFF80;
	s17 =	sadd.s32 $0x0, s22  }
0x9c: {  	v1 =	vld.msk [tilespmem:s17+$0x0 ss:$0x1], $0xffff;
	_ =	sdelay $0x2  }
0x9d: {  	s19 =	ssub.s32 $0x30D40, s16  }
0x9e: {  	p1 =	slt.s32 s19, $0x80  }
0x9f: {  	s19 =	simm.s32 @!p1 $0x80;
	vm1 =	vgt.s32 v1, $0x0  }
0xa0: {  	p1 =	sgt.s32 s19, $0x0;
	s17 =	smov.u32 s19;
	v1 =	vnsel vm1, $0x0, v1  }
0xa1: {  	s17 =	simm.s32 @!p1 $0x0;
	v1 =	vmin.u32 v1, $0xC34FF  }
0xa2: {  	s17 =	smin.u32 s17, $0x10;
	v2 =	vshll.u32 v1, $0x3  }
0xa3: {  	v3 =	vmov s17;
	v1 =	vand.u32 $0x7F, v1;
	v2 =	vand.u32 $0x7FFC00, v2  }
0xa4: {  	vm1 =	vgt.u32 v3, v0;
	v1 =	vor.u32 v1, v2  }
0xa5: {  	v2 =	vnsel vm1, $0x7FFFFFFF, v1;
	_ =	sdelay $0x1  }
0xa6: {  	v3 =	vor.u32 $0x80, v1  }
0xa7: {  	(ifvalue) =	ssetifvalue $0x7FFFFFFF;
	s23 =	rddreg [dreg:$0x4];
	v3 =	vnsel vm1, $0x7FFFFFFF, v3  }
0xa8: {  	s21 =	sadd.s32 $0x0, s23;
	(ifvalue) =	ssetifvalue $0x7FFFFFFF  }
0xa9: {  	v4 =	vor.u32 $0x100, v1;
	[tilespmem:s21], [sflag:$0x1] =	stream.indirect_vreg.gather [hbm4b:s3+s13], $0x1, v2, vm0, $0x4038;
	[tilespmem:$0x2100] =	vst v63  }
0xaa: {  	(ifvalue) =	ssetifvalue $0x7FFFFFFF;
	v2 =	vnsel vm1, $0x7FFFFFFF, v4  }
0xab: {  	s17 =	sadd.s32 $0x80, s21;
	(ifvalue) =	ssetifvalue $0x7FFFFFFF  }
0xac: {  	v37 =	vor.u32 $0x180, v1;
	[tilespmem:s17], [sflag:$0x1] =	stream.indirect_vreg.gather [hbm4b:s3+s13], $0x1, v3, vm0, $0x4038;
	[tilespmem:$0x2100] =	vst v63  }
0xad: {  	v3 =	vnsel vm1, $0x7FFFFFFF, v37;
	(ifvalue) =	ssetifvalue $0x7FFFFFFF  }
0xae: {  	s24 =	sadd.s32 $0x100, s21;
	(ifvalue) =	ssetifvalue $0x7FFFFFFF  }
0xaf: {  	v38 =	vor.u32 $0x200, v1;
	[tilespmem:s24], [sflag:$0x1] =	stream.indirect_vreg.gather [hbm4b:s3+s13], $0x1, v2, vm0, $0x4038;
	[tilespmem:$0x2100] =	vst v63  }
0xb0: {  	(ifvalue) =	ssetifvalue $0x7FFFFFFF;
	v2 =	vnsel vm1, $0x7FFFFFFF, v38  }
0xb1: {  	s25 =	sadd.s32 $0x180, s21;
	(ifvalue) =	ssetifvalue $0x7FFFFFFF  }
0xb2: {  	v39 =	vor.u32 $0x280, v1;
	[tilespmem:s25], [sflag:$0x1] =	stream.indirect_vreg.gather [hbm4b:s3+s13], $0x1, v3, vm0, $0x4038;
	[tilespmem:$0x2100] =	vst v63  }
0xb3: {  	v3 =	vnsel vm1, $0x7FFFFFFF, v39;
	(ifvalue) =	ssetifvalue $0x7FFFFFFF  }
0xb4: {  	s26 =	sadd.s32 $0x200, s21;
	(ifvalue) =	ssetifvalue $0x7FFFFFFF  }
0xb5: {  	v40 =	vor.u32 $0x300, v1;
	[tilespmem:s26], [sflag:$0x1] =	stream.indirect_vreg.gather [hbm4b:s3+s13], $0x1, v2, vm0, $0x4038;
	[tilespmem:$0x2100] =	vst v63  }
0xb6: {  	(ifvalue) =	ssetifvalue $0x7FFFFFFF;
	v2 =	vnsel vm1, $0x7FFFFFFF, v40  }
0xb7: {  	s28 =	sadd.s32 $0x280, s21;
	(ifvalue) =	ssetifvalue $0x7FFFFFFF  }
0xb8: {  	v41 =	vor.u32 $0x380, v1;
	[tilespmem:s28], [sflag:$0x1] =	stream.indirect_vreg.gather [hbm4b:s3+s13], $0x1, v3, vm0, $0x4038;
	[tilespmem:$0x2100] =	vst v63  }
0xb9: {  	v3 =	vnsel vm1, $0x7FFFFFFF, v41;
	(ifvalue) =	ssetifvalue $0x7FFFFFFF  }
0xba: {  	s29 =	sadd.s32 $0x300, s21;
	(ifvalue) =	ssetifvalue $0x7FFFFFFF  }
0xbb: {  	v42 =	vadd.s32 $0x61A800, v1;
	[tilespmem:s29], [sflag:$0x1] =	stream.indirect_vreg.gather [hbm4b:s3+s13], $0x1, v2, vm0, $0x4038;
	[tilespmem:$0x2100] =	vst v63  }
0xbc: {  	(ifvalue) =	ssetifvalue $0x7FFFFFFF;
	v2 =	vnsel vm1, $0x7FFFFFFF, v42  }
0xbd: {  	s30 =	sadd.s32 $0x380, s21;
	(ifvalue) =	ssetifvalue $0x7FFFFFFF  }
0xbe: {  	v43 =	vadd.s32 $0x61A880, v1;
	[tilespmem:s30], [sflag:$0x1] =	stream.indirect_vreg.gather [hbm4b:s3+s13], $0x1, v3, vm0, $0x4038;
	[tilespmem:$0x2100] =	vst v63  }
0xbf: {  	v3 =	vnsel vm1, $0x7FFFFFFF, v43;
	(ifvalue) =	ssetifvalue $0x7FFFFFFF  }
0xc0: {  	s31 =	sadd.s32 $0x400, s21;
	(ifvalue) =	ssetifvalue $0x7FFFFFFF  }
0xc1: {  	v44 =	vadd.s32 $0x61A900, v1;
	[tilespmem:s31], [sflag:$0x1] =	stream.indirect_vreg.gather [hbm4b:s3+s13], $0x1, v2, vm0, $0x4038;
	[tilespmem:$0x2100] =	vst v63  }
0xc2: {  	(ifvalue) =	ssetifvalue $0x7FFFFFFF;
	v2 =	vnsel vm1, $0x7FFFFFFF, v44  }
0xc3: {  	s18 =	sadd.s32 $0x480, s21;
	(ifvalue) =	ssetifvalue $0x7FFFFFFF  }
0xc4: {  	v45 =	vadd.s32 $0x61A980, v1;
	[tilespmem:s18], [sflag:$0x1] =	stream.indirect_vreg.gather [hbm4b:s3+s13], $0x1, v3, vm0, $0x4038;
	[tilespmem:$0x2100] =	vst v63  }
0xc5: {  	v3 =	vnsel vm1, $0x7FFFFFFF, v45;
	(ifvalue) =	ssetifvalue $0x7FFFFFFF  }
0xc6: {  	s20 =	sadd.s32 $0x500, s21;
	(ifvalue) =	ssetifvalue $0x7FFFFFFF  }
0xc7: {  	v46 =	vadd.s32 $0x61AA00, v1;
	[tilespmem:s20], [sflag:$0x1] =	stream.indirect_vreg.gather [hbm4b:s3+s13], $0x1, v2, vm0, $0x4038;
	[tilespmem:$0x2100] =	vst v63  }
0xc8: {  	(ifvalue) =	ssetifvalue $0x7FFFFFFF;
	v2 =	vnsel vm1, $0x7FFFFFFF, v46  }
0xc9: {  	s22 =	sadd.s32 $0x580, s21;
	(ifvalue) =	ssetifvalue $0x7FFFFFFF  }
0xca: {  	v47 =	vadd.s32 $0x61AA80, v1;
	[tilespmem:s22], [sflag:$0x1] =	stream.indirect_vreg.gather [hbm4b:s3+s13], $0x1, v3, vm0, $0x4038;
	[tilespmem:$0x2100] =	vst v63  }
0xcb: {  	v3 =	vnsel vm1, $0x7FFFFFFF, v47;
	(ifvalue) =	ssetifvalue $0x7FFFFFFF  }
0xcc: {  	s23 =	sadd.s32 $0x600, s21;
	(ifvalue) =	ssetifvalue $0x7FFFFFFF  }
0xcd: {  	v48 =	vadd.s32 $0x61AB00, v1;
	[tilespmem:s23], [sflag:$0x1] =	stream.indirect_vreg.gather [hbm4b:s3+s13], $0x1, v2, vm0, $0x4038;
	[tilespmem:$0x2100] =	vst v63  }
0xce: {  	(ifvalue) =	ssetifvalue $0x7FFFFFFF;
	v2 =	vnsel vm1, $0x7FFFFFFF, v48  }
0xcf: {  	s24 =	sadd.s32 $0x680, s21;
	(ifvalue) =	ssetifvalue $0x7FFFFFFF  }
0xd0: {  	v49 =	vadd.s32 $0x61AB80, v1;
	[tilespmem:s24], [sflag:$0x1] =	stream.indirect_vreg.gather [hbm4b:s3+s13], $0x1, v3, vm0, $0x4038;
	[tilespmem:$0x2100] =	vst v63  }
0xd1: {  	v3 =	vnsel vm1, $0x7FFFFFFF, v49;
	(ifvalue) =	ssetifvalue $0x7FFFFFFF  }
0xd2: {  	s25 =	sadd.s32 $0x700, s21;
	(ifvalue) =	ssetifvalue $0x7FFFFFFF  }
0xd3: {  	v50 =	vadd.s32 $0xC35000, v1;
	[tilespmem:s25], [sflag:$0x1] =	stream.indirect_vreg.gather [hbm4b:s3+s13], $0x1, v2, vm0, $0x4038;
	[tilespmem:$0x2100] =	vst v63  }
0xd4: {  	(ifvalue) =	ssetifvalue $0x7FFFFFFF;
	v2 =	vnsel vm1, $0x7FFFFFFF, v50  }
0xd5: {  	s26 =	sadd.s32 $0x780, s21;
	(ifvalue) =	ssetifvalue $0x7FFFFFFF  }
0xd6: {  	v51 =	vadd.s32 $0xC35080, v1;
	[tilespmem:s26], [sflag:$0x1] =	stream.indirect_vreg.gather [hbm4b:s3+s13], $0x1, v3, vm0, $0x4038;
	[tilespmem:$0x2100] =	vst v63  }
0xd7: {  	v3 =	vnsel vm1, $0x7FFFFFFF, v51;
	(ifvalue) =	ssetifvalue $0x7FFFFFFF  }
0xd8: {  	s28 =	sadd.s32 $0x800, s21;
	(ifvalue) =	ssetifvalue $0x7FFFFFFF  }
0xd9: {  	v52 =	vadd.s32 $0xC35100, v1;
	[tilespmem:s28], [sflag:$0x1] =	stream.indirect_vreg.gather [hbm4b:s3+s13], $0x1, v2, vm0, $0x4038;
	[tilespmem:$0x2100] =	vst v63  }
0xda: {  	(ifvalue) =	ssetifvalue $0x7FFFFFFF;
	v2 =	vnsel vm1, $0x7FFFFFFF, v52  }
0xdb: {  	s29 =	sadd.s32 $0x880, s21;
	(ifvalue) =	ssetifvalue $0x7FFFFFFF  }
0xdc: {  	v53 =	vadd.s32 $0xC35180, v1;
	[tilespmem:s29], [sflag:$0x1] =	stream.indirect_vreg.gather [hbm4b:s3+s13], $0x1, v3, vm0, $0x4038;
	[tilespmem:$0x2100] =	vst v63  }
0xdd: {  	v3 =	vnsel vm1, $0x7FFFFFFF, v53;
	(ifvalue) =	ssetifvalue $0x7FFFFFFF  }
0xde: {  	s30 =	sadd.s32 $0x900, s21;
	(ifvalue) =	ssetifvalue $0x7FFFFFFF  }
0xdf: {  	v54 =	vadd.s32 $0xC35200, v1;
	[tilespmem:s30], [sflag:$0x1] =	stream.indirect_vreg.gather [hbm4b:s3+s13], $0x1, v2, vm0, $0x4038;
	[tilespmem:$0x2100] =	vst v63  }
0xe0: {  	(ifvalue) =	ssetifvalue $0x7FFFFFFF;
	v2 =	vnsel vm1, $0x7FFFFFFF, v54  }
0xe1: {  	s31 =	sadd.s32 $0x980, s21;
	(ifvalue) =	ssetifvalue $0x7FFFFFFF  }
0xe2: {  	v55 =	vadd.s32 $0xC35280, v1;
	[tilespmem:s31], [sflag:$0x1] =	stream.indirect_vreg.gather [hbm4b:s3+s13], $0x1, v3, vm0, $0x4038;
	[tilespmem:$0x2100] =	vst v63  }
0xe3: {  	v3 =	vnsel vm1, $0x7FFFFFFF, v55;
	(ifvalue) =	ssetifvalue $0x7FFFFFFF  }
0xe4: {  	s18 =	sadd.s32 $0xA00, s21;
	(ifvalue) =	ssetifvalue $0x7FFFFFFF  }
0xe5: {  	v56 =	vadd.s32 $0xC35300, v1;
	[tilespmem:s18], [sflag:$0x1] =	stream.indirect_vreg.gather [hbm4b:s3+s13], $0x1, v2, vm0, $0x4038;
	[tilespmem:$0x2100] =	vst v63  }
0xe6: {  	(ifvalue) =	ssetifvalue $0x7FFFFFFF;
	v2 =	vnsel vm1, $0x7FFFFFFF, v56  }
0xe7: {  	s20 =	sadd.s32 $0xA80, s21;
	(ifvalue) =	ssetifvalue $0x7FFFFFFF  }
0xe8: {  	v57 =	vadd.s32 $0xC35380, v1;
	[tilespmem:s20], [sflag:$0x1] =	stream.indirect_vreg.gather [hbm4b:s3+s13], $0x1, v3, vm0, $0x4038;
	[tilespmem:$0x2100] =	vst v63  }
0xe9: {  	v3 =	vnsel vm1, $0x7FFFFFFF, v57;
	(ifvalue) =	ssetifvalue $0x7FFFFFFF  }
0xea: {  	s22 =	sadd.s32 $0xB00, s21;
	(ifvalue) =	ssetifvalue $0x7FFFFFFF  }
0xeb: {  	v58 =	vadd.s32 $0x124F800, v1;
	[tilespmem:s22], [sflag:$0x1] =	stream.indirect_vreg.gather [hbm4b:s3+s13], $0x1, v2, vm0, $0x4038;
	[tilespmem:$0x2100] =	vst v63  }
0xec: {  	(ifvalue) =	ssetifvalue $0x7FFFFFFF;
	v2 =	vnsel vm1, $0x7FFFFFFF, v58  }
0xed: {  	s23 =	sadd.s32 $0xB80, s21;
	(ifvalue) =	ssetifvalue $0x7FFFFFFF  }
0xee: {  	v59 =	vadd.s32 $0x124F880, v1;
	[tilespmem:s23], [sflag:$0x1] =	stream.indirect_vreg.gather [hbm4b:s3+s13], $0x1, v3, vm0, $0x4038;
	[tilespmem:$0x2100] =	vst v63  }
0xef: {  	v3 =	vnsel vm1, $0x7FFFFFFF, v59;
	(ifvalue) =	ssetifvalue $0x7FFFFFFF  }
0xf0: {  	s24 =	sadd.s32 $0xC00, s21;
	(ifvalue) =	ssetifvalue $0x7FFFFFFF  }
0xf1: {  	v60 =	vadd.s32 $0x124F900, v1;
	[tilespmem:s24], [sflag:$0x1] =	stream.indirect_vreg.gather [hbm4b:s3+s13], $0x1, v2, vm0, $0x4038;
	[tilespmem:$0x2100] =	vst v63  }
0xf2: {  	(ifvalue) =	ssetifvalue $0x7FFFFFFF;
	v2 =	vnsel vm1, $0x7FFFFFFF, v60  }
0xf3: {  	s25 =	sadd.s32 $0xC80, s21;
	(ifvalue) =	ssetifvalue $0x7FFFFFFF  }
0xf4: {  	v61 =	vadd.s32 $0x124F980, v1;
	[tilespmem:s25], [sflag:$0x1] =	stream.indirect_vreg.gather [hbm4b:s3+s13], $0x1, v3, vm0, $0x4038;
	[tilespmem:$0x2100] =	vst v63  }
0xf5: {  	v3 =	vnsel vm1, $0x7FFFFFFF, v61;
	(ifvalue) =	ssetifvalue $0x7FFFFFFF  }
0xf6: {  	s26 =	sadd.s32 $0xD00, s21;
	(ifvalue) =	ssetifvalue $0x7FFFFFFF  }
0xf7: {  	v62 =	vadd.s32 $0x124FA00, v1;
	[tilespmem:s26], [sflag:$0x1] =	stream.indirect_vreg.gather [hbm4b:s3+s13], $0x1, v2, vm0, $0x4038;
	[tilespmem:$0x2100] =	vst v63  }
0xf8: {  	(ifvalue) =	ssetifvalue $0x7FFFFFFF;
	v2 =	vnsel vm1, $0x7FFFFFFF, v62  }
0xf9: {  	s28 =	sadd.s32 $0xD80, s21;
	(ifvalue) =	ssetifvalue $0x7FFFFFFF  }
0xfa: {  	v63 =	vadd.s32 $0x124FA80, v1;
	[tilespmem:s28], [sflag:$0x1] =	stream.indirect_vreg.gather [hbm4b:s3+s13], $0x1, v3, vm0, $0x4038;
	[tilespmem:$0x2100] =	vst v63  }
0xfb: {  	v3 =	vnsel vm1, $0x7FFFFFFF, v63;
	(ifvalue) =	ssetifvalue $0x7FFFFFFF  }
0xfc: {  	s29 =	sadd.s32 $0xE00, s21;
	(ifvalue) =	ssetifvalue $0x7FFFFFFF  }
0xfd: {  	[tilespmem:s29], [sflag:$0x1] =	stream.indirect_vreg.gather [hbm4b:s3+s13], $0x1, v2, vm0, $0x4038;
	v2 =	vadd.s32 $0x124FB00, v1;
	[tilespmem:$0x2100] =	vst v63  }
0xfe: {  	s30 =	sshll.u32 s15, $0xC;
	(ifvalue) =	ssetifvalue $0x7FFFFFFF;
	v2 =	vnsel vm1, $0x7FFFFFFF, v2  }
0xff: {  	s31 =	sadd.s32 $0xE80, s21;
	s17 =	sand.u32 $0x1000, s30;
	(ifvalue) =	ssetifvalue $0x7FFFFFFF  }
0x100: {  	v1 =	vadd.s32 $0x124FB80, v1;
	[tilespmem:s31], [sflag:$0x1] =	stream.indirect_vreg.gather [hbm4b:s3+s13], $0x1, v3, vm0, $0x4038;
	[tilespmem:$0x2100] =	vst v63  }
0x101: {  	s19 =	sadd.s32 $0xFFFFFFF0, s19;
	s18 =	sor.u32 $0x100, s17;
	v1 =	vnsel vm1, $0x7FFFFFFF, v1;
	(ifvalue) =	ssetifvalue $0x7FFFFFFF  }
0x102: {  	s23 =	sadd.s32 $0xF00, s21;
	s22 =	rddreg [dreg:$0x3];
	(ifvalue) =	ssetifvalue $0x7FFFFFFF  }
0x103: {  	[tilespmem:s23], [sflag:$0x1] =	stream.indirect_vreg.gather [hbm4b:s3+s13], $0x1, v2, vm0, $0x4038;
	[tilespmem:$0x2100] =	vst v63  }
0x104: {  	s20 =	simm.s32 $0x80;
	s21 =	sadd.s32 $0xF80, s21;
	(ifvalue) =	ssetifvalue $0x7FFFFFFF  }
0x105: {  	s24 =	sadd.s32 $0x10, s22;
	s23 =	simm.s32 $0x10;
	(ifvalue) =	ssetifvalue $0x7FFFFFFF  }
.LBB2_3:
0x106: {  	[tilespmem:s21], [sflag:$0x1] =	stream.indirect_vreg.gather [hbm4b:s3+s13], $0x1, v1, vm0, $0x4038;
	[tilespmem:$0x2100] =	vst v63  }
0x107: {  	v1 =	vld.msk [tilespmem:s24+$0x0 ss:$0x1], $0xffff;
	_ =	sdelay $0x4  }
0x108: {  	vm1 =	vgt.s32 v1, $0x0  }
0x109: {  	p2 =	sgt.s32 s19, $0x0;
	s24 =	smov.u32 s19;
	v1 =	vnsel vm1, $0x0, v1  }
0x10a: {  	s24 =	simm.s32 @!p2 $0x0;
	v1 =	vmin.u32 v1, $0xC34FF  }
0x10b: {  	s24 =	smin.u32 s24, $0x10;
	v2 =	vshll.u32 v1, $0x3  }
0x10c: {  	v3 =	vmov s24;
	v1 =	vand.u32 $0x7F, v1;
	v2 =	vand.u32 $0x7FFC00, v2  }
0x10d: {  	vm1 =	vgt.u32 v3, v0;
	v1 =	vor.u32 v1, v2  }
0x10e: {  	v2 =	vnsel vm1, $0x7FFFFFFF, v1;
	_ =	sdelay $0x1  }
0x10f: {  	v3 =	vor.u32 $0x80, v1  }
0x110: {  	(ifvalue) =	ssetifvalue $0x7FFFFFFF;
	s22 =	rddreg [dreg:$0x4];
	v3 =	vnsel vm1, $0x7FFFFFFF, v3  }
0x111: {  	s22 =	sadd.s32 s23, s22;
	(ifvalue) =	ssetifvalue $0x7FFFFFFF  }
0x112: {  	v4 =	vor.u32 $0x100, v1;
	[tilespmem:s22], [sflag:$0x1] =	stream.indirect_vreg.gather [hbm4b:s3+s13], $0x1, v2, vm0, $0x4038;
	[tilespmem:$0x2100] =	vst v63  }
0x113: {  	(ifvalue) =	ssetifvalue $0x7FFFFFFF;
	v2 =	vnsel vm1, $0x7FFFFFFF, v4  }
0x114: {  	s23 =	sadd.s32 $0x80, s22;
	(ifvalue) =	ssetifvalue $0x7FFFFFFF  }
0x115: {  	v5 =	vor.u32 $0x180, v1;
	[tilespmem:s23], [sflag:$0x1] =	stream.indirect_vreg.gather [hbm4b:s3+s13], $0x1, v3, vm0, $0x4038;
	[tilespmem:$0x2100] =	vst v63  }
0x116: {  	v29 =	vnsel vm1, $0x7FFFFFFF, v5;
	(ifvalue) =	ssetifvalue $0x7FFFFFFF  }
0x117: {  	s30 =	sadd.s32 $0x100, s22;
	(ifvalue) =	ssetifvalue $0x7FFFFFFF  }
0x118: {  	v16 =	vor.u32 $0x200, v1;
	[tilespmem:s30], [sflag:$0x1] =	stream.indirect_vreg.gather [hbm4b:s3+s13], $0x1, v2, vm0, $0x4038;
	[tilespmem:$0x2100] =	vst v63  }
0x119: {  	v16 =	vnsel vm1, $0x7FFFFFFF, v16;
	(ifvalue) =	ssetifvalue $0x7FFFFFFF  }
0x11a: {  	s31 =	sadd.s32 $0x180, s22;
	(ifvalue) =	ssetifvalue $0x7FFFFFFF  }
0x11b: {  	v17 =	vor.u32 $0x280, v1;
	[tilespmem:s31], [sflag:$0x1] =	stream.indirect_vreg.gather [hbm4b:s3+s13], $0x1, v29, vm0, $0x4038;
	[tilespmem:$0x2100] =	vst v63  }
0x11c: {  	v17 =	vnsel vm1, $0x7FFFFFFF, v17;
	(ifvalue) =	ssetifvalue $0x7FFFFFFF  }
0x11d: {  	s24 =	sadd.s32 $0x200, s22;
	(ifvalue) =	ssetifvalue $0x7FFFFFFF  }
0x11e: {  	v18 =	vor.u32 $0x300, v1;
	[tilespmem:s24], [sflag:$0x1] =	stream.indirect_vreg.gather [hbm4b:s3+s13], $0x1, v16, vm0, $0x4038;
	[tilespmem:$0x2100] =	vst v63  }
0x11f: {  	v53 =	vnsel vm1, $0x7FFFFFFF, v18;
	(ifvalue) =	ssetifvalue $0x7FFFFFFF  }
0x120: {  	s25 =	sadd.s32 $0x280, s22;
	(ifvalue) =	ssetifvalue $0x7FFFFFFF  }
0x121: {  	v19 =	vor.u32 $0x380, v1;
	[tilespmem:s25], [sflag:$0x1] =	stream.indirect_vreg.gather [hbm4b:s3+s13], $0x1, v17, vm0, $0x4038;
	[tilespmem:$0x2100] =	vst v63  }
0x122: {  	v54 =	vnsel vm1, $0x7FFFFFFF, v19;
	(ifvalue) =	ssetifvalue $0x7FFFFFFF  }
0x123: {  	s26 =	sadd.s32 $0x300, s22;
	(ifvalue) =	ssetifvalue $0x7FFFFFFF  }
0x124: {  	v20 =	vadd.s32 $0x61A800, v1;
	[tilespmem:s26], [sflag:$0x1] =	stream.indirect_vreg.gather [hbm4b:s3+s13], $0x1, v53, vm0, $0x4038;
	[tilespmem:$0x2100] =	vst v63  }
0x125: {  	v55 =	vnsel vm1, $0x7FFFFFFF, v20;
	(ifvalue) =	ssetifvalue $0x7FFFFFFF  }
0x126: {  	s28 =	sadd.s32 $0x380, s22;
	(ifvalue) =	ssetifvalue $0x7FFFFFFF  }
0x127: {  	v21 =	vadd.s32 $0x61A880, v1;
	[tilespmem:s28], [sflag:$0x1] =	stream.indirect_vreg.gather [hbm4b:s3+s13], $0x1, v54, vm0, $0x4038;
	[tilespmem:$0x2100] =	vst v63  }
0x128: {  	v56 =	vnsel vm1, $0x7FFFFFFF, v21;
	(ifvalue) =	ssetifvalue $0x7FFFFFFF  }
0x129: {  	s29 =	sadd.s32 $0x400, s22;
	(ifvalue) =	ssetifvalue $0x7FFFFFFF  }
0x12a: {  	v22 =	vadd.s32 $0x61A900, v1;
	[tilespmem:s29], [sflag:$0x1] =	stream.indirect_vreg.gather [hbm4b:s3+s13], $0x1, v55, vm0, $0x4038;
	[tilespmem:$0x2100] =	vst v63  }
0x12b: {  	v57 =	vnsel vm1, $0x7FFFFFFF, v22;
	(ifvalue) =	ssetifvalue $0x7FFFFFFF  }
0x12c: {  	s30 =	sadd.s32 $0x480, s22;
	(ifvalue) =	ssetifvalue $0x7FFFFFFF  }
0x12d: {  	v23 =	vadd.s32 $0x61A980, v1;
	[tilespmem:s30], [sflag:$0x1] =	stream.indirect_vreg.gather [hbm4b:s3+s13], $0x1, v56, vm0, $0x4038;
	[tilespmem:$0x2100] =	vst v63  }
0x12e: {  	v58 =	vnsel vm1, $0x7FFFFFFF, v23;
	(ifvalue) =	ssetifvalue $0x7FFFFFFF  }
0x12f: {  	s31 =	sadd.s32 $0x500, s22;
	(ifvalue) =	ssetifvalue $0x7FFFFFFF  }
0x130: {  	v24 =	vadd.s32 $0x61AA00, v1;
	[tilespmem:s31], [sflag:$0x1] =	stream.indirect_vreg.gather [hbm4b:s3+s13], $0x1, v57, vm0, $0x4038;
	[tilespmem:$0x2100] =	vst v63  }
0x131: {  	v59 =	vnsel vm1, $0x7FFFFFFF, v24;
	(ifvalue) =	ssetifvalue $0x7FFFFFFF  }
0x132: {  	s24 =	sadd.s32 $0x580, s22;
	(ifvalue) =	ssetifvalue $0x7FFFFFFF  }
0x133: {  	v25 =	vadd.s32 $0x61AA80, v1;
	[tilespmem:s24], [sflag:$0x1] =	stream.indirect_vreg.gather [hbm4b:s3+s13], $0x1, v58, vm0, $0x4038;
	[tilespmem:$0x2100] =	vst v63  }
0x134: {  	v60 =	vnsel vm1, $0x7FFFFFFF, v25;
	(ifvalue) =	ssetifvalue $0x7FFFFFFF  }
0x135: {  	s25 =	sadd.s32 $0x600, s22;
	(ifvalue) =	ssetifvalue $0x7FFFFFFF  }
0x136: {  	v26 =	vadd.s32 $0x61AB00, v1;
	[tilespmem:s25], [sflag:$0x1] =	stream.indirect_vreg.gather [hbm4b:s3+s13], $0x1, v59, vm0, $0x4038;
	[tilespmem:$0x2100] =	vst v63  }
0x137: {  	v61 =	vnsel vm1, $0x7FFFFFFF, v26;
	(ifvalue) =	ssetifvalue $0x7FFFFFFF  }
0x138: {  	s26 =	sadd.s32 $0x680, s22;
	(ifvalue) =	ssetifvalue $0x7FFFFFFF  }
0x139: {  	v27 =	vadd.s32 $0x61AB80, v1;
	[tilespmem:s26], [sflag:$0x1] =	stream.indirect_vreg.gather [hbm4b:s3+s13], $0x1, v60, vm0, $0x4038;
	[tilespmem:$0x2100] =	vst v63  }
0x13a: {  	v62 =	vnsel vm1, $0x7FFFFFFF, v27;
	(ifvalue) =	ssetifvalue $0x7FFFFFFF  }
0x13b: {  	s28 =	sadd.s32 $0x700, s22;
	(ifvalue) =	ssetifvalue $0x7FFFFFFF  }
0x13c: {  	v28 =	vadd.s32 $0xC35000, v1;
	[tilespmem:s28], [sflag:$0x1] =	stream.indirect_vreg.gather [hbm4b:s3+s13], $0x1, v61, vm0, $0x4038;
	[tilespmem:$0x2100] =	vst v63  }
0x13d: {  	v63 =	vnsel vm1, $0x7FFFFFFF, v28;
	(ifvalue) =	ssetifvalue $0x7FFFFFFF  }
0x13e: {  	s29 =	sadd.s32 $0x780, s22;
	(ifvalue) =	ssetifvalue $0x7FFFFFFF  }
0x13f: {  	v15 =	vadd.s32 $0xC35080, v1;
	[tilespmem:s29], [sflag:$0x1] =	stream.indirect_vreg.gather [hbm4b:s3+s13], $0x1, v62, vm0, $0x4038;
	[tilespmem:$0x2100] =	vst v63  }
0x140: {  	v15 =	vnsel vm1, $0x7FFFFFFF, v15;
	(ifvalue) =	ssetifvalue $0x7FFFFFFF  }
0x141: {  	s30 =	sadd.s32 $0x800, s22;
	(ifvalue) =	ssetifvalue $0x7FFFFFFF  }
0x142: {  	v14 =	vadd.s32 $0xC35100, v1;
	[tilespmem:s30], [sflag:$0x1] =	stream.indirect_vreg.gather [hbm4b:s3+s13], $0x1, v63, vm0, $0x4038;
	[tilespmem:$0x2100] =	vst v63  }
0x143: {  	v14 =	vnsel vm1, $0x7FFFFFFF, v14;
	(ifvalue) =	ssetifvalue $0x7FFFFFFF  }
0x144: {  	s31 =	sadd.s32 $0x880, s22;
	(ifvalue) =	ssetifvalue $0x7FFFFFFF  }
0x145: {  	v13 =	vadd.s32 $0xC35180, v1;
	[tilespmem:s31], [sflag:$0x1] =	stream.indirect_vreg.gather [hbm4b:s3+s13], $0x1, v15, vm0, $0x4038;
	[tilespmem:$0x2100] =	vst v63  }
0x146: {  	v13 =	vnsel vm1, $0x7FFFFFFF, v13;
	(ifvalue) =	ssetifvalue $0x7FFFFFFF  }
0x147: {  	s24 =	sadd.s32 $0x900, s22;
	(ifvalue) =	ssetifvalue $0x7FFFFFFF  }
0x148: {  	v12 =	vadd.s32 $0xC35200, v1;
	[tilespmem:s24], [sflag:$0x1] =	stream.indirect_vreg.gather [hbm4b:s3+s13], $0x1, v14, vm0, $0x4038;
	[tilespmem:$0x2100] =	vst v63  }
0x149: {  	v12 =	vnsel vm1, $0x7FFFFFFF, v12;
	(ifvalue) =	ssetifvalue $0x7FFFFFFF  }
0x14a: {  	s25 =	sadd.s32 $0x980, s22;
	(ifvalue) =	ssetifvalue $0x7FFFFFFF  }
0x14b: {  	v11 =	vadd.s32 $0xC35280, v1;
	[tilespmem:s25], [sflag:$0x1] =	stream.indirect_vreg.gather [hbm4b:s3+s13], $0x1, v13, vm0, $0x4038;
	[tilespmem:$0x2100] =	vst v63  }
0x14c: {  	v11 =	vnsel vm1, $0x7FFFFFFF, v11;
	(ifvalue) =	ssetifvalue $0x7FFFFFFF  }
0x14d: {  	s26 =	sadd.s32 $0xA00, s22;
	(ifvalue) =	ssetifvalue $0x7FFFFFFF  }
0x14e: {  	v10 =	vadd.s32 $0xC35300, v1;
	[tilespmem:s26], [sflag:$0x1] =	stream.indirect_vreg.gather [hbm4b:s3+s13], $0x1, v12, vm0, $0x4038;
	[tilespmem:$0x2100] =	vst v63  }
0x14f: {  	v10 =	vnsel vm1, $0x7FFFFFFF, v10;
	(ifvalue) =	ssetifvalue $0x7FFFFFFF  }
0x150: {  	s28 =	sadd.s32 $0xA80, s22;
	(ifvalue) =	ssetifvalue $0x7FFFFFFF  }
0x151: {  	v9 =	vadd.s32 $0xC35380, v1;
	[tilespmem:s28], [sflag:$0x1] =	stream.indirect_vreg.gather [hbm4b:s3+s13], $0x1, v11, vm0, $0x4038;
	[tilespmem:$0x2100] =	vst v63  }
0x152: {  	v9 =	vnsel vm1, $0x7FFFFFFF, v9;
	(ifvalue) =	ssetifvalue $0x7FFFFFFF  }
0x153: {  	s29 =	sadd.s32 $0xB00, s22;
	(ifvalue) =	ssetifvalue $0x7FFFFFFF  }
0x154: {  	v8 =	vadd.s32 $0x124F800, v1;
	[tilespmem:s29], [sflag:$0x1] =	stream.indirect_vreg.gather [hbm4b:s3+s13], $0x1, v10, vm0, $0x4038;
	[tilespmem:$0x2100] =	vst v63  }
0x155: {  	v8 =	vnsel vm1, $0x7FFFFFFF, v8;
	(ifvalue) =	ssetifvalue $0x7FFFFFFF  }
0x156: {  	s30 =	sadd.s32 $0xB80, s22;
	(ifvalue) =	ssetifvalue $0x7FFFFFFF  }
0x157: {  	v7 =	vadd.s32 $0x124F880, v1;
	[tilespmem:s30], [sflag:$0x1] =	stream.indirect_vreg.gather [hbm4b:s3+s13], $0x1, v9, vm0, $0x4038;
	[tilespmem:$0x2100] =	vst v63  }
0x158: {  	v7 =	vnsel vm1, $0x7FFFFFFF, v7;
	(ifvalue) =	ssetifvalue $0x7FFFFFFF  }
0x159: {  	s31 =	sadd.s32 $0xC00, s22;
	(ifvalue) =	ssetifvalue $0x7FFFFFFF  }
0x15a: {  	v6 =	vadd.s32 $0x124F900, v1;
	[tilespmem:s31], [sflag:$0x1] =	stream.indirect_vreg.gather [hbm4b:s3+s13], $0x1, v8, vm0, $0x4038;
	[tilespmem:$0x2100] =	vst v63  }
0x15b: {  	v6 =	vnsel vm1, $0x7FFFFFFF, v6;
	(ifvalue) =	ssetifvalue $0x7FFFFFFF  }
0x15c: {  	s24 =	sadd.s32 $0xC80, s22;
	(ifvalue) =	ssetifvalue $0x7FFFFFFF  }
0x15d: {  	v51 =	vadd.s32 $0x124F980, v1;
	[tilespmem:s24], [sflag:$0x1] =	stream.indirect_vreg.gather [hbm4b:s3+s13], $0x1, v7, vm0, $0x4038;
	[tilespmem:$0x2100] =	vst v63  }
0x15e: {  	v5 =	vnsel vm1, $0x7FFFFFFF, v51;
	(ifvalue) =	ssetifvalue $0x7FFFFFFF  }
0x15f: {  	s25 =	sadd.s32 $0xD00, s22;
	(ifvalue) =	ssetifvalue $0x7FFFFFFF  }
0x160: {  	v52 =	vadd.s32 $0x124FA00, v1;
	[tilespmem:s25], [sflag:$0x1] =	stream.indirect_vreg.gather [hbm4b:s3+s13], $0x1, v6, vm0, $0x4038;
	[tilespmem:$0x2100] =	vst v63  }
0x161: {  	v4 =	vnsel vm1, $0x7FFFFFFF, v52;
	(ifvalue) =	ssetifvalue $0x7FFFFFFF  }
0x162: {  	s26 =	sadd.s32 $0xD80, s22;
	(ifvalue) =	ssetifvalue $0x7FFFFFFF  }
0x163: {  	v3 =	vadd.s32 $0x124FA80, v1;
	[tilespmem:s26], [sflag:$0x1] =	stream.indirect_vreg.gather [hbm4b:s3+s13], $0x1, v5, vm0, $0x4038;
	[tilespmem:$0x2100] =	vst v63  }
0x164: {  	v3 =	vnsel vm1, $0x7FFFFFFF, v3;
	(ifvalue) =	ssetifvalue $0x7FFFFFFF  }
0x165: {  	s28 =	sadd.s32 $0xE00, s22;
	(ifvalue) =	ssetifvalue $0x7FFFFFFF  }
0x166: {  	v2 =	vadd.s32 $0x124FB00, v1;
	[tilespmem:s28], [sflag:$0x1] =	stream.indirect_vreg.gather [hbm4b:s3+s13], $0x1, v4, vm0, $0x4038;
	[tilespmem:$0x2100] =	vst v63  }
0x167: {  	p1 =	sne.s32 s20, $0x1C0;
	v2 =	vnsel vm1, $0x7FFFFFFF, v2;
	(ifvalue) =	ssetifvalue $0x7FFFFFFF  }
0x168: {  	s21 =	smov.u32 s20;
	s29 =	sadd.s32 $0xE80, s22;
	(ifvalue) =	ssetifvalue $0x7FFFFFFF  }
0x169: {  	[tilespmem:s29], [sflag:$0x1] =	stream.indirect_vreg.gather [hbm4b:s3+s13], $0x1, v3, vm0, $0x4038;
	[tilespmem:$0x2100] =	vst v63  }
.Ltmp3:
0x16a: {  	s20 =	sadd.s32 $0x40, s20;
	(ifvalue) =	ssetifvalue $0x7FFFFFFF;
	(pc) =	sbr.rel @p1 .LBB2_3-.Ltmp3, $4  }
0x16b: {  	s31 =	sadd.s32 $0xF00, s22;
	s30 =	rddreg [dreg:$0x3];
	(ifvalue) =	ssetifvalue $0x7FFFFFFF  }
0x16c: {  	[tilespmem:s31], [sflag:$0x1] =	stream.indirect_vreg.gather [hbm4b:s3+s13], $0x1, v2, vm0, $0x4038;
	[tilespmem:$0x2100] =	vst v63  }
0x16d: {  	s19 =	sadd.s32 $0xFFFFFFF0, s19;
	s23 =	sshra.s32 s21, $0x2;
	v1 =	vadd.s32 $0x124FB80, v1;
	(ifvalue) =	ssetifvalue $0x7FFFFFFF  }
0x16e: {  	s21 =	sadd.s32 $0xF80, s22;
	v1 =	vnsel vm1, $0x7FFFFFFF, v1;
	s24 =	sadd.s32 s23, s30;
	(ifvalue) =	ssetifvalue $0x7FFFFFFF  }
.Ltmp4:
0x16f: {  	_ = 	snop;
	(pc) =	sbr.rel .LBB2_4-.Ltmp4, $1  }
0x170: {  	_ =	sdelay $0x3  }
.LBB2_6:
0x171: {  	_ =	sfence.sel $0x180000  }
0x172: {  	s2 =	simm.s32 $0x2;
	[bflag:$0x0] =	sbarrier.arrive $0xFFFF  }
0x173: {  	s30 =	simm.s32 $0x3;
	[sflag:s2] =	ssyncpa.u1 $0x1  }
0x174: {  	s31 =	simm.s32 $0x1;
	[sflag:s30] =	ssyncpa.u1 $0x1  }
0x175: {  	[sflag:s31] =	ssyncpa.u1 $0x1  }
0x176: {  	p0 =	sne.s32 s1, $0x0;
	_ =	strace $0x9000004D  }
0x177: {  	s0 =	sadd.s32 @!p0 $0x100000, s0;
	[bflag:$0x2] =	sbarrier.arrive $0xFFFF  }
0x178: {  	[sflag:s0] =	ssyncadd.tile.s32 @!p0 $0x1;
	_ =	shalt  }
.Lfunc_end2:
_tile_overlayer_lowered:
.L_overlay_start_2:
0x179: {  	(tag) =	ssettag $0x2  }
0x17a: {  	s0 =	rddreg [dreg:$0x0];
	s2 =	stileid.u32  }
0x17b: {  	s1 =	rddreg [dreg:$0x1];
	p0 =	sne.s32 s2, $0x0  }
0x17c: {  	s3 =	rddreg [dreg:$0x2];
	[bflag:$0x3] =	sbarrier.arrive $0xFFFF;
	s2 =	simm.s32 @!p0 $0x1C01  }
0x17d: {  	[timem:s3], [sflag:s2] =	dma.local @!p0 [hbm:s0], s1  }
0x17e: {  	s0 =	simm.s32 @!p0 $0x1  }
0x17f: {  	_ =	swait.ge @!p0 [sflag:s0], s1  }
0x180: {  	s1 =	ssub.s32 @!p0 $0x0, s1;
	[sflag:s0] =	ssyncset.done @!p0 $0x0  }
0x181: {  	[sflag:s0] =	ssyncadd.s32 @!p0 s1  }
0x182: {  	[bflag:$0x3] =	sbarrier.arrive $0xFFFF  }
0x183: {  	_ =	shalt  }

// kernel: gather_offload_async_start.2
scs
__scs_entry_jumppad:
0x0: {  	(pc) =	sbr.rel $0x88, $3  }
0x1: {  	(tag) =	ssettag $0x0;
	lr =	simm.s32 $0x1  }
0x2: {  	[smem:$0x3F82] =	sst lr;
	_ =	strace $0xD0000000  }
0x3: {  	_ = 	snop  }
0x4: {  	_ = 	snop  }
0x5: {  	_ = 	snop  }
0x6: {  	_ = 	snop  }
0x7: {  	_ = 	snop  }
__scs_overlays_trampoline_lowered:
0x8: {  	[smem:$0x3F91] =	sst s0  }
0x9: {  	[smem:$0x3F92] =	sst s1  }
0xa: {  	[smem:$0x3F93] =	sst s2  }
0xb: {  	[smem:$0x3F94] =	sst s3  }
0xc: {  	[smem:$0x3F95] =	sst s4  }
0xd: {  	[smem:$0x3F96] =	sst s5  }
0xe: {  	[smem:$0x3F97] =	sst s6  }
0xf: {  	[smem:$0x3F98] =	sst s7  }
0x10: {  	[smem:$0x3F99] =	sst s8  }
0x11: {  	[smem:$0x3F9A] =	sst s9;
	s0 =	simm.s32 @!p0 $0x0  }
0x12: {  	s1 =	sld [smem:$0x3F80];
	s0 =	simm.s32 @p0 $0x1  }
0x13: {  	[smem:$0x3F9B] =	sst s0;
	s0 =	simm.s32 @!p1 $0x0  }
0x14: {  	s2 =	sld [smem:$0x3F7F];
	s0 =	simm.s32 @p1 $0x1  }
0x15: {  	[smem:$0x3F9C] =	sst s0;
	s0 =	simm.s32 @!p2 $0x0  }
0x16: {  	s3 =	sld [smem:$0x3FDB];
	s0 =	simm.s32 @p2 $0x1  }
0x17: {  	s4 =	simm.s32 $0x1BF5;
	[smem:$0x3F9E] =	sst s0  }
0x18: {  	s0 =	sld [smem:$0x3F81];
	_ =	swait.ge [sflag:s4], $0x0  }
0x19: {  	s7 =	sld [smem:$0x3F82]  }
0x1a: {  	s8 =	sadd.s32 $0xFFFFE003, lr  }
0x1b: {  	s9 =	sadd.s32 $0xFFFFFEF7, lr;
	s5 =	simm.s32 $0xFFFFFFFF;
	p2 =	slt.u32 s8, $0xFFFFF086  }
0x1c: {  	p1 =	slt.u32 s9, $0xF7A;
	s5 =	simm.s32 @!p2 $0x0  }
0x1d: {  	s5 =	simm.s32 @p1 $0x1;
	p0 =	seq.s32 s7, s2  }
0x1e: {  	s7 =	smul.u32 @!p0 $0xF7A, s2;
	p2 =	seq.s32 @!p0 s5, $0x0  }
0x1f: {  	s9 =	smul.u32 $0xF7A, s1;
	s8 =	simm.s32 @!p0 $0x1BF5;
	p2 =	por !p2, p0  }
0x20: {  	[sflag:s8] =	ssyncset.s32 @!p0 $0xFFFFF086;
	s6 =	sadd.s32 @!p0 s3, s7;
	s7 =	simm.s32 @!p0 $0x108  }
0x21: {  	s3 =	sadd.s32 s3, s9;
	s6 =	sadd.s32 @!p0 $0x88, s6;
	s7 =	simm.s32 @p2 $0x1082  }
0x22: {  	[simem:s7], [sflag:s8] =	dma.local @!p0 [hbm:s6], $0xF7A  }
0x23: {  	s9 =	sor.u32 $0xD0000000, s2;
	s6 =	simm.s32 $0x108;
	_ =	swait.ge @!p0 [sflag:s8], $0x0  }
0x24: {  	s3 =	sadd.s32 $0x88, s3;
	s6 =	simm.s32 @!p1 $0x1082;
	[sflag:s4] =	ssyncset.s32 $0xFFFFF086  }
0x25: {  	[simem:s6], [sflag:s4] =	dma.local [hbm:s3], $0xF7A  }
0x26: {  	[smem:$0x3F82] =	sst s1;
	(tag) =	ssettag s2;
	_ =	strace s9  }
0x27: {  	s1 =	sld [smem:$0x3F92]  }
0x28: {  	s2 =	sld [smem:$0x3F93]  }
0x29: {  	s4 =	sld [smem:$0x3F95]  }
0x2a: {  	p0 =	seq.s32 s5, $0x0;
	s5 =	sld [smem:$0x3F96]  }
0x2b: {  	s6 =	sld [smem:$0x3F97]  }
0x2c: {  	s7 =	sld [smem:$0x3F98]  }
0x2d: {  	s3 =	simm.s32 $0x108;
	s8 =	sld [smem:$0x3F99]  }
0x2e: {  	s3 =	simm.s32 @!p0 $0x1082;
	s9 =	sld [smem:$0x3F9A]  }
0x2f: {  	lr =	sadd.s32 s0, s3;
	s0 =	sld [smem:$0x3F91]  }
0x30: {  	s3 =	sld [smem:$0x3F94]  }
0x31: {  	[smem:$0x3F9D] =	sst s10  }
0x32: {  	s10 =	sld [smem:$0x3F9B];
	_ =	sdelay $0x3  }
0x33: {  	p0 =	seq.s32 s10, $0x1;
	s10 =	sld [smem:$0x3F9D];
	_ =	sdelay $0x3  }
0x34: {  	[smem:$0x3F9D] =	sst s10  }
0x35: {  	s10 =	sld [smem:$0x3F9C];
	_ =	sdelay $0x3  }
0x36: {  	p1 =	seq.s32 s10, $0x1;
	s10 =	sld [smem:$0x3F9D];
	_ =	sdelay $0x3  }
0x37: {  	[smem:$0x3F9D] =	sst s10  }
0x38: {  	s10 =	sld [smem:$0x3F9E]  }
0x39: {  	_ = 	snop;
	(pc) =	sbr.ind lr, $3  }
0x3a: {  	_ = 	snop  }
0x3b: {  	_ = 	snop  }
0x3c: {  	p2 =	seq.s32 s10, $0x1;
	s10 =	sld [smem:$0x3F9D]  }
0x3d: {  	_ =	shalt  }
0x3e: {  	_ =	shalt  }
0x3f: {  	_ =	shalt  }
0x40: {  	_ =	shalt  }
0x41: {  	_ =	shalt  }
0x42: {  	_ =	shalt  }
0x43: {  	_ =	shalt  }
0x44: {  	_ =	shalt  }
0x45: {  	_ =	shalt  }
0x46: {  	_ =	shalt  }
0x47: {  	_ =	shalt  }
0x48: {  	_ =	shalt  }
0x49: {  	_ =	shalt  }
0x4a: {  	_ =	shalt  }
0x4b: {  	_ =	shalt  }
0x4c: {  	_ =	shalt  }
0x4d: {  	_ =	shalt  }
0x4e: {  	_ =	shalt  }
0x4f: {  	_ =	shalt  }
0x50: {  	_ =	shalt  }
0x51: {  	_ =	shalt  }
0x52: {  	_ =	shalt  }
0x53: {  	_ =	shalt  }
0x54: {  	_ =	shalt  }
0x55: {  	_ =	shalt  }
0x56: {  	_ =	shalt  }
0x57: {  	_ =	shalt  }
0x58: {  	_ =	shalt  }
0x59: {  	_ =	shalt  }
0x5a: {  	_ =	shalt  }
0x5b: {  	_ =	shalt  }
0x5c: {  	_ =	shalt  }
0x5d: {  	_ =	shalt  }
0x5e: {  	_ =	shalt  }
0x5f: {  	_ =	shalt  }
0x60: {  	_ =	shalt  }
0x61: {  	_ =	shalt  }
0x62: {  	_ =	shalt  }
0x63: {  	_ =	shalt  }
0x64: {  	_ =	shalt  }
0x65: {  	_ =	shalt  }
0x66: {  	_ =	shalt  }
0x67: {  	_ =	shalt  }
0x68: {  	_ =	shalt  }
0x69: {  	_ =	shalt  }
0x6a: {  	_ =	shalt  }
0x6b: {  	_ =	shalt  }
0x6c: {  	_ =	shalt  }
0x6d: {  	_ =	shalt  }
0x6e: {  	_ =	shalt  }
0x6f: {  	_ =	shalt  }
0x70: {  	_ =	shalt  }
0x71: {  	_ =	shalt  }
0x72: {  	_ =	shalt  }
0x73: {  	_ =	shalt  }
0x74: {  	_ =	shalt  }
0x75: {  	_ =	shalt  }
0x76: {  	_ =	shalt  }
0x77: {  	_ =	shalt  }
0x78: {  	_ =	shalt  }
0x79: {  	_ =	shalt  }
0x7a: {  	_ =	shalt  }
0x7b: {  	_ =	shalt  }
0x7c: {  	_ =	shalt  }
0x7d: {  	_ =	shalt  }
0x7e: {  	_ =	shalt  }
0x7f: {  	_ =	shalt  }
0x80: {  	_ =	shalt  }
0x81: {  	_ =	shalt  }
0x82: {  	_ =	shalt  }
0x83: {  	_ =	shalt  }
0x84: {  	_ =	shalt  }
0x85: {  	_ =	shalt  }
0x86: {  	_ =	shalt  }
0x87: {  	_ =	shalt  }
.Lfunc_end0:
.L_simem_size_0:
called_computation.4_lowered:
.L_overlay_start_0:
0x88: {  	s2 =	sld [smem:$0x3FD9]  }
0x89: {  	s3 =	sld [smem:$0x3FFE];
	_ =	sdelay $0x1  }
0x8a: {  	s1 =	srdreg.scid  }
0x8b: {  	s0 =	sand.u32 $0x1, s1  }
0x8c: {  	s14 =	sshll.u32 s0, $0xA;
	s2 =	sadd.s32 s3, s2  }
0x8d: {  	s2 =	sadd.s32 s2, s14  }
0x8e: {  	[smem:$0x3FA9] =	sst s2  }
0x8f: {  	_ = 	snop  }
0x90: {  	s2 =	sld [smem:$0x3FD0];
	_ =	sdelay $0x2  }
0x91: {  	s15 =	simm.s32 $0xA;
	s4 =	simm.s32 $0x10  }
0x92: {  	[smem:s4], [sflag:s15] =	dma.local [hbm:s2], $0x1  }
0x93: {  	_ =	swait.eq [sflag:s15], $0x1  }
0x94: {  	[sflag:s15] =	ssyncset.done $0x0  }
0x95: {  	[sflag:s15] =	ssyncadd.s32 $0xFFFFFFFF  }
0x96: {  	s16 =	sld [smem:$0x13];
	(tm) =	ssettm $0x1  }
0x97: {  	s17 =	sld [smem:$0x3FFB];
	_ =	sdelay $0x3  }
0x98: {  	_ =	strace s17  }
0x99: {  	s3 =	sld [smem:$0x3FFC];
	_ =	sdelay $0x3  }
0x9a: {  	_ =	strace s3  }
0x9b: {  	s3 =	sld [smem:$0x3FFD];
	_ =	sdelay $0x3  }
0x9c: {  	_ =	strace s3  }
0x9d: {  	_ =	strace $0x8FFFFFFF  }
0x9e: {  	s18 =	sld [smem:$0x3FDB];
	_ =	sdelay $0x1  }
0x9f: {  	s19 =	simm.s32 $_scs_section_size  }
0xa0: {  	s5 =	simm.s32 $_size__tile_overlayer_lowered;
	s6 =	simm.s32 $_tile_overlayer_lowered  }
0xa1: {  	s22 =	simm.s32 $0x1BFF;
	s21 =	sshll.u32 s6, $0x1;
	s3 =	sadd.s32 s19, s18  }
0xa2: {  	s7 =	simm.s32 $0x0;
	s20 =	sshll.u32 s5, $0x1;
	s5 =	sadd.s32 s21, s3  }
0xa3: {  	[timem:s7], [sflag:s22] =	dma.local [hbm:s5], s20  }
0xa4: {  	_ =	swait.ge [sflag:s22], s20  }
0xa5: {  	s4 =	ssub.s32 $0x0, s20;
	[sflag:s22] =	ssyncset.done $0x0  }
0xa6: {  	[sflag:s22] =	ssyncadd.s32 s4;
	_ =	sdelay $0x1  }
0xa7: {  	s23 =	simm.s32 $0x1B8B  }
0xa8: {  	_ =	swait.ge [sflag:s23], $0x1  }
0xa9: {  	[sflag:s23] =	ssyncset.done $0x0  }
0xaa: {  	s25 =	simm.s32 $0x1B8E;
	s24 =	sld [smem:$0x3FFE];
	[sflag:s23] =	ssyncadd.s32 $0xFFFFFFFF  }
0xab: {  	s26 =	simm.s32 $execute0_lowered;
	[smem:$0x3FD2] =	sst s25  }
0xac: {  	s5 =	sshll.u32 s26, $0x1;
	_ =	strace $0x80000052;
	[dreg:$0x1] =	wrdreg $0xFFFFFFFF  }
0xad: {  	s28 =	simm.s32 $_size_execute0_lowered;
	s3 =	sadd.s32 s3, s5;
	[dreg:$0x0] =	wrdreg $0x0  }
0xae: {  	s5 =	sshll.u32 s28, $0x1;
	[dreg:$0x2] =	wrdreg s3  }
0xaf: {  	[dreg:$0x3] =	wrdreg s5  }
0xb0: {  	[dreg:$0x4] =	wrdreg $0xC0  }
0xb1: {  	_ =	task [dreg:s7], $0x5FFFF  }
0xb2: {  	[dreg:$0x1] =	wrdreg $0xFFFFFFFF  }
0xb3: {  	[dreg:$0x0] =	wrdreg $0x60  }
0xb4: {  	[dreg:$0x2] =	wrdreg s24  }
0xb5: {  	[dreg:$0x3] =	wrdreg s16  }
0xb6: {  	[dreg:$0x4] =	wrdreg $0x9  }
0xb7: {  	_ =	task.clear_ibuf [dreg:s7], $0x5FFFF;
	_ =	strace $0x90000052  }
0xb8: {  	s29 =	simm.s32 $0x9;
	_ =	strace $0x80000054  }
0xb9: {  	_ =	swait.ge [sflag:s29], $0x1  }
0xba: {  	[sflag:s29] =	ssyncadd.s32 $0xFFFFFFFF  }
0xbb: {  	_ =	strace $0x90000054  }
0xbc: {  	_ =	sfence  }
0xbd: {  	s30 =	sld [smem:$0x0];
	_ =	sdelay $0x2  }
0xbe: {  	s31 =	sshll.u32 s1, $0xD;
	s1 =	sshrl.u32 s1, $0x2  }
0xbf: {  	s3 =	sand.u32 $0x4000, s31;
	s1 =	sadd.s32 s1, s30  }
0xc0: {  	s0 =	sor.u32 s3, s0;
	s1 =	sshll.u32 s1, $0x11  }
0xc1: {  	s0 =	sor.u32 s1, s0  }
0xc2: {  	s0 =	sadd.s32 $0x8F2B, s0  }
0xc3: {  	[sflag:s0] =	ssyncadd.remote.s32 $0x1  }
0xc4: {  	_ =	sfence.sel $0xFFFF  }
0xc5: {  	[dreg:$0x0] =	wrdreg $0xFFFFFFFF;
	(pc) =	sbr.abs _section_cstart, $3  }
0xc6: {  	[dreg:$0x1] =	wrdreg $0xFFFFFFFF  }
0xc7: {  	_ =	task.clear_ibuf [dreg:s7], $0x2FFFF;
	_ =	strace $0x9FFFFFFF  }
0xc8: {  	(tm) =	ssettm $0x7FFFFFFF  }
0xc9: {  	_ =	shalt  }
tec
execute0_lowered:
.L_overlay_start_1:
0x0: {  	(tag) =	ssettag $0x1  }
0x1: {  	s1 =	srdreg.scid;
	s2 =	rddreg [dreg:$0x0]  }
0x2: {  	s0 =	stileid.u32;
	s3 =	rddreg [dreg:$0x1];
	s6 =	simm.s32 $0x2  }
0x3: {  	s9 =	simm.s32 $0x3;
	s11 =	simm.s32 $0x0;
	s1 =	sshll.u32 s1, $0x7  }
0x4: {  	s14 =	simm.s32 $0x0;
	s4 =	sshll.u32 s0, $0x8;
	s5 =	sand.u32 $0x80, s1  }
0x5: {  	s13 =	simm.s32 $0x0;
	s1 =	rddreg [dreg:$0x2];
	s4 =	sor.u32 s4, s5  }
0x6: {  	_ =	strace $0x80000053;
	s5 =	simm.s32 $0x1;
	s7 =	ssub.s32 $0x61A80, s4  }
.Ltmp0:
0x7: {  	[sflag:s5] =	ssyncpa.u1 $0x0;
	s8 =	sand.u32 $0xF80, s7;
	(pc) =	sbr.rel .LBB2_1-.Ltmp0, $4  }
0x8: {  	s12 =	smov.u32 s4;
	p0 =	sne.s32 s8, $0x0;
	s8 =	simm.s32 $0x1  }
0x9: {  	[sflag:s6] =	ssyncpa.u1 $0x0;
	s10 =	sshrl.u32 s7, $0xC;
	s8 =	simm.s32 @!p0 $0x0  }
0xa: {  	s7 =	sadd.s32 $0x33E200, s2;
	[sflag:s9] =	ssyncpa.u1 $0x0;
	s8 =	sadd.s32 s8, s10  }
0xb: {  	vm0 =	vmmov $0xffff;
	v0 =	vlaneseq.u32;
	s9 =	sadd.s32 $0x61A80, s3;
	p0 =	por $0x0, $0x0;
	s10 =	sadd.s32 $0x1, s8  }
.LBB2_4:
0xc: {  	_ =	sdelay $0x3  }
0xd: {  	[tilespmem:s23], [sflag:$0x1] =	stream.indirect_vreg.gather [hbm4b:s2+s11], $0x1, v1, vm0, $0x4038;
	[tilespmem:$0x1100] =	vst v63  }
0xe: {  	s17 =	sadd.s32 s19, s17  }
0xf: {  	v1 =	vld.msk [tilespmem:s17+$0x0 ss:$0x1], $0xffff;
	_ =	sdelay $0x4  }
0x10: {  	vm1 =	vgt.s32 v1, $0x0  }
0x11: {  	p1 =	sgt.s32 s20, $0x0;
	v1 =	vnsel vm1, $0x0, v1  }
0x12: {  	s20 =	simm.s32 @!p1 $0x0;
	v1 =	vmin.u32 v1, $0x1869FF  }
0x13: {  	s26 =	smin.u32 s20, $0x10;
	v2 =	vshll.u32 v1, $0x3  }
0x14: {  	v3 =	vmov s26;
	v1 =	vand.u32 $0x7F, v1;
	v2 =	vand.u32 $0xFFFC00, v2  }
0x15: {  	vm1 =	vgt.u32 v3, v0;
	v1 =	vor.u32 v1, v2  }
0x16: {  	v2 =	vnsel vm1, $0x7FFFFFFF, v1;
	_ =	sdelay $0x1  }
0x17: {  	v3 =	vor.u32 $0x80, v1  }
0x18: {  	(ifvalue) =	ssetifvalue $0x7FFFFFFF;
	v3 =	vnsel vm1, $0x7FFFFFFF, v3  }
0x19: {  	s17 =	sadd.s32 s19, s18;
	(ifvalue) =	ssetifvalue $0x7FFFFFFF  }
0x1a: {  	v4 =	vor.u32 $0x100, v1;
	[tilespmem:s17], [sflag:$0x1] =	stream.indirect_vreg.gather [hbm4b:s2+s11], $0x1, v2, vm0, $0x4038;
	[tilespmem:$0x1100] =	vst v63  }
0x1b: {  	(ifvalue) =	ssetifvalue $0x7FFFFFFF;
	v2 =	vnsel vm1, $0x7FFFFFFF, v4  }
0x1c: {  	s18 =	sadd.s32 $0x80, s17;
	(ifvalue) =	ssetifvalue $0x7FFFFFFF  }
0x1d: {  	v52 =	vor.u32 $0x180, v1;
	[tilespmem:s18], [sflag:$0x1] =	stream.indirect_vreg.gather [hbm4b:s2+s11], $0x1, v3, vm0, $0x4038;
	[tilespmem:$0x1100] =	vst v63  }
0x1e: {  	v3 =	vnsel vm1, $0x7FFFFFFF, v52;
	(ifvalue) =	ssetifvalue $0x7FFFFFFF  }
0x1f: {  	s28 =	sadd.s32 $0x100, s17;
	(ifvalue) =	ssetifvalue $0x7FFFFFFF  }
0x20: {  	v53 =	vor.u32 $0x200, v1;
	[tilespmem:s28], [sflag:$0x1] =	stream.indirect_vreg.gather [hbm4b:s2+s11], $0x1, v2, vm0, $0x4038;
	[tilespmem:$0x1100] =	vst v63  }
0x21: {  	(ifvalue) =	ssetifvalue $0x7FFFFFFF;
	v2 =	vnsel vm1, $0x7FFFFFFF, v53  }
0x22: {  	s29 =	sadd.s32 $0x180, s17;
	(ifvalue) =	ssetifvalue $0x7FFFFFFF  }
0x23: {  	v54 =	vor.u32 $0x280, v1;
	[tilespmem:s29], [sflag:$0x1] =	stream.indirect_vreg.gather [hbm4b:s2+s11], $0x1, v3, vm0, $0x4038;
	[tilespmem:$0x1100] =	vst v63  }
0x24: {  	v3 =	vnsel vm1, $0x7FFFFFFF, v54;
	(ifvalue) =	ssetifvalue $0x7FFFFFFF  }
0x25: {  	s30 =	sadd.s32 $0x200, s17;
	(ifvalue) =	ssetifvalue $0x7FFFFFFF  }
0x26: {  	v55 =	vor.u32 $0x300, v1;
	[tilespmem:s30], [sflag:$0x1] =	stream.indirect_vreg.gather [hbm4b:s2+s11], $0x1, v2, vm0, $0x4038;
	[tilespmem:$0x1100] =	vst v63  }
0x27: {  	(ifvalue) =	ssetifvalue $0x7FFFFFFF;
	v2 =	vnsel vm1, $0x7FFFFFFF, v55  }
0x28: {  	s31 =	sadd.s32 $0x280, s17;
	(ifvalue) =	ssetifvalue $0x7FFFFFFF  }
0x29: {  	v56 =	vor.u32 $0x380, v1;
	[tilespmem:s31], [sflag:$0x1] =	stream.indirect_vreg.gather [hbm4b:s2+s11], $0x1, v3, vm0, $0x4038;
	[tilespmem:$0x1100] =	vst v63  }
0x2a: {  	v3 =	vnsel vm1, $0x7FFFFFFF, v56;
	(ifvalue) =	ssetifvalue $0x7FFFFFFF  }
0x2b: {  	s19 =	sadd.s32 $0x300, s17;
	(ifvalue) =	ssetifvalue $0x7FFFFFFF  }
0x2c: {  	v57 =	vadd.s32 $0xC35000, v1;
	[tilespmem:s19], [sflag:$0x1] =	stream.indirect_vreg.gather [hbm4b:s2+s11], $0x1, v2, vm0, $0x4038;
	[tilespmem:$0x1100] =	vst v63  }
0x2d: {  	(ifvalue) =	ssetifvalue $0x7FFFFFFF;
	v2 =	vnsel vm1, $0x7FFFFFFF, v57  }
0x2e: {  	s20 =	sadd.s32 $0x380, s17;
	(ifvalue) =	ssetifvalue $0x7FFFFFFF  }
0x2f: {  	v58 =	vadd.s32 $0xC35080, v1;
	[tilespmem:s20], [sflag:$0x1] =	stream.indirect_vreg.gather [hbm4b:s2+s11], $0x1, v3, vm0, $0x4038;
	[tilespmem:$0x1100] =	vst v63  }
0x30: {  	v3 =	vnsel vm1, $0x7FFFFFFF, v58;
	(ifvalue) =	ssetifvalue $0x7FFFFFFF  }
0x31: {  	s21 =	sadd.s32 $0x400, s17;
	(ifvalue) =	ssetifvalue $0x7FFFFFFF  }
0x32: {  	v59 =	vadd.s32 $0xC35100, v1;
	[tilespmem:s21], [sflag:$0x1] =	stream.indirect_vreg.gather [hbm4b:s2+s11], $0x1, v2, vm0, $0x4038;
	[tilespmem:$0x1100] =	vst v63  }
0x33: {  	(ifvalue) =	ssetifvalue $0x7FFFFFFF;
	v2 =	vnsel vm1, $0x7FFFFFFF, v59  }
0x34: {  	s22 =	sadd.s32 $0x480, s17;
	(ifvalue) =	ssetifvalue $0x7FFFFFFF  }
0x35: {  	v60 =	vadd.s32 $0xC35180, v1;
	[tilespmem:s22], [sflag:$0x1] =	stream.indirect_vreg.gather [hbm4b:s2+s11], $0x1, v3, vm0, $0x4038;
	[tilespmem:$0x1100] =	vst v63  }
0x36: {  	v3 =	vnsel vm1, $0x7FFFFFFF, v60;
	(ifvalue) =	ssetifvalue $0x7FFFFFFF  }
0x37: {  	s23 =	sadd.s32 $0x500, s17;
	(ifvalue) =	ssetifvalue $0x7FFFFFFF  }
0x38: {  	v61 =	vadd.s32 $0xC35200, v1;
	[tilespmem:s23], [sflag:$0x1] =	stream.indirect_vreg.gather [hbm4b:s2+s11], $0x1, v2, vm0, $0x4038;
	[tilespmem:$0x1100] =	vst v63  }
0x39: {  	(ifvalue) =	ssetifvalue $0x7FFFFFFF;
	v2 =	vnsel vm1, $0x7FFFFFFF, v61  }
0x3a: {  	s24 =	sadd.s32 $0x580, s17;
	(ifvalue) =	ssetifvalue $0x7FFFFFFF  }
0x3b: {  	v62 =	vadd.s32 $0xC35280, v1;
	[tilespmem:s24], [sflag:$0x1] =	stream.indirect_vreg.gather [hbm4b:s2+s11], $0x1, v3, vm0, $0x4038;
	[tilespmem:$0x1100] =	vst v63  }
0x3c: {  	v3 =	vnsel vm1, $0x7FFFFFFF, v62;
	(ifvalue) =	ssetifvalue $0x7FFFFFFF  }
0x3d: {  	s25 =	sadd.s32 $0x600, s17;
	(ifvalue) =	ssetifvalue $0x7FFFFFFF  }
0x3e: {  	v63 =	vadd.s32 $0xC35300, v1;
	[tilespmem:s25], [sflag:$0x1] =	stream.indirect_vreg.gather [hbm4b:s2+s11], $0x1, v2, vm0, $0x4038;
	[tilespmem:$0x1100] =	vst v63  }
0x3f: {  	(ifvalue) =	ssetifvalue $0x7FFFFFFF;
	v2 =	vnsel vm1, $0x7FFFFFFF, v63  }
0x40: {  	s26 =	sadd.s32 $0x680, s17;
	(ifvalue) =	ssetifvalue $0x7FFFFFFF  }
0x41: {  	v1 =	vadd.s32 $0xC35380, v1;
	[tilespmem:s26], [sflag:$0x1] =	stream.indirect_vreg.gather [hbm4b:s2+s11], $0x1, v3, vm0, $0x4038;
	[tilespmem:$0x1100] =	vst v63  }
0x42: {  	v1 =	vnsel vm1, $0x7FFFFFFF, v1;
	(ifvalue) =	ssetifvalue $0x7FFFFFFF  }
0x43: {  	s28 =	sadd.s32 $0x700, s17;
	(ifvalue) =	ssetifvalue $0x7FFFFFFF  }
0x44: {  	[tilespmem:s28], [sflag:$0x1] =	stream.indirect_vreg.gather [hbm4b:s2+s11], $0x1, v2, vm0, $0x4038;
	[tilespmem:$0x1100] =	vst v63  }
0x45: {  	(ifvalue) =	ssetifvalue $0x7FFFFFFF  }
0x46: {  	s17 =	sadd.s32 $0x780, s17;
	s29 =	sshll.u32 s14, $0x3;
	(ifvalue) =	ssetifvalue $0x7FFFFFFF  }
0x47: {  	[tilespmem:s17], [sflag:$0x1] =	stream.indirect_vreg.gather [hbm4b:s2+s11], $0x1, v1, vm0, $0x4038;
	[tilespmem:$0x1100] =	vst v63  }
0x48: {  	s30 =	sand.u32 $0x78, s14;
	s17 =	sand.u32 $0xFFFFFC00, s29  }
0x49: {  	_ =	swait.ge [sflag:s5], $0x800;
	s14 =	sor.u32 s30, s17  }
0x4a: {  	[sflag:s5] =	ssyncset.done $0x0;
	s14 =	sshrl.u32 s14, $0x3  }
0x4b: {  	[sflag:s5] =	ssyncadd.s32 $0xFFFFF800;
	s31 =	sadd.s32 s3, s14  }
0x4c: {  	[hbm:s31] =	stream.linear.scatter [tilespmem:s16], [sflag:$0x3], $0x400, $0x38;
	[tilespmem:$0x1100] =	vst v63  }
0x4d: {  	s15 =	sadd.s32 $0x500, s15;
	s14 =	sadd.s32 s14, s9  }
0x4e: {  	[hbm:s14] =	stream.linear.scatter [tilespmem:s15], [sflag:$0x3], $0x400, $0x38;
	[tilespmem:$0x1100] =	vst v63  }
.LBB2_5:
0x4f: {  	s16 =	sadd.s32 $0x1000, s12  }
0x50: {  	p2 =	sgt.s32 s16, $0x61A7F  }
0x51: {  	s16 =	smov.u32 @p2 s4;
	p2 =	sne.s32 s13, s10  }
.Ltmp1:
0x52: {  	p1 =	slt.u32 s13, $0x2;
	(pc) =	sbr.rel @!p2 .LBB2_6-.Ltmp1, $4  }
0x53: {  	s15 =	simm.s32 @!p1 $0x3  }
0x54: {  	s17 =	sadd.s32 $0x1, s13;
	_ =	swait.ge @!p1 [sflag:s15], $0x800  }
0x55: {  	s14 =	smov.u32 s12;
	p0 =	por !p0, !p0;
	[sflag:s15] =	ssyncset.done @!p1 $0x0  }
0x56: {  	s13 =	smov.u32 s17;
	s12 =	smov.u32 s16;
	[sflag:s15] =	ssyncadd.s32 @!p1 $0xFFFFF800  }
.LBB2_1:
0x57: {  	p1 =	sge.u32 s13, s8  }
0x58: {  	s15 =	sxor.u32 @!p1 $0xFFFFFFFF, s13  }
0x59: {  	s31 =	sadd.s32 $0xFFFFFFFF, s13;
	s16 =	sshrl.u32 @!p1 s12, $0x3;
	s15 =	sshll.u32 @!p1 s15, $0x7  }
0x5a: {  	s17 =	sand.u32 @!p1 $0x7, s12;
	s16 =	sadd.s32 @!p1 s7, s16;
	s15 =	sand.u32 @!p1 $0x80, s15  }
0x5b: {  	[tilespmem:s15], [sflag:$0x2] =	stream.linear.gather @!p1 [hbm4b:s16+s17], $0x80, $0x38;
	[tilespmem:$0x1100] =	vst v63  }
0x5c: {  	p1 =	sge.u32 s31, s8  }
.Ltmp2:
0x5d: {  	_ = 	snop;
	(pc) =	sbr.rel @p1 .LBB2_5-.Ltmp2, $1  }
0x5e: {  	_ =	sdelay $0x3  }
0x5f: {  	s15 =	simm.s32 $0x1  }
0x60: {  	_ =	swait.ge [sflag:s6], $0x80;
	s15 =	simm.s32 @!p0 $0x0  }
0x61: {  	[sflag:s6] =	ssyncset.done $0x0;
	s17 =	sshll.u32 s15, $0x7  }
0x62: {  	[sflag:s6] =	ssyncadd.s32 $0xFFFFFF80;
	s16 =	sadd.s32 $0x0, s17  }
0x63: {  	v1 =	vld.msk [tilespmem:s16+$0x0 ss:$0x1], $0xffff;
	_ =	sdelay $0x2  }
0x64: {  	s20 =	ssub.s32 $0x61A80, s14  }
0x65: {  	p1 =	slt.s32 s20, $0x80  }
0x66: {  	s20 =	simm.s32 @!p1 $0x80;
	vm1 =	vgt.s32 v1, $0x0  }
0x67: {  	p1 =	sgt.s32 s20, $0x0;
	s16 =	smov.u32 s20;
	v1 =	vnsel vm1, $0x0, v1  }
0x68: {  	s16 =	simm.s32 @!p1 $0x0;
	v1 =	vmin.u32 v1, $0x1869FF  }
0x69: {  	s16 =	smin.u32 s16, $0x10;
	v2 =	vshll.u32 v1, $0x3  }
0x6a: {  	v3 =	vmov s16;
	v1 =	vand.u32 $0x7F, v1;
	v2 =	vand.u32 $0xFFFC00, v2  }
0x6b: {  	vm1 =	vgt.u32 v3, v0;
	v1 =	vor.u32 v1, v2  }
0x6c: {  	v2 =	vnsel vm1, $0x7FFFFFFF, v1;
	_ =	sdelay $0x1  }
0x6d: {  	s15 =	sshll.u32 s15, $0xB;
	v3 =	vor.u32 $0x80, v1  }
0x6e: {  	s18 =	sor.u32 $0x100, s15;
	(ifvalue) =	ssetifvalue $0x7FFFFFFF;
	v3 =	vnsel vm1, $0x7FFFFFFF, v3  }
0x6f: {  	s21 =	sadd.s32 $0x0, s18;
	(ifvalue) =	ssetifvalue $0x7FFFFFFF  }
0x70: {  	v4 =	vor.u32 $0x100, v1;
	[tilespmem:s21], [sflag:$0x1] =	stream.indirect_vreg.gather [hbm4b:s2+s11], $0x1, v2, vm0, $0x4038;
	[tilespmem:$0x1100] =	vst v63  }
0x71: {  	(ifvalue) =	ssetifvalue $0x7FFFFFFF;
	v2 =	vnsel vm1, $0x7FFFFFFF, v4  }
0x72: {  	s29 =	sadd.s32 $0x80, s21;
	(ifvalue) =	ssetifvalue $0x7FFFFFFF  }
0x73: {  	v52 =	vor.u32 $0x180, v1;
	[tilespmem:s29], [sflag:$0x1] =	stream.indirect_vreg.gather [hbm4b:s2+s11], $0x1, v3, vm0, $0x4038;
	[tilespmem:$0x1100] =	vst v63  }
0x74: {  	v3 =	vnsel vm1, $0x7FFFFFFF, v52;
	(ifvalue) =	ssetifvalue $0x7FFFFFFF  }
0x75: {  	s30 =	sadd.s32 $0x100, s21;
	(ifvalue) =	ssetifvalue $0x7FFFFFFF  }
0x76: {  	v53 =	vor.u32 $0x200, v1;
	[tilespmem:s30], [sflag:$0x1] =	stream.indirect_vreg.gather [hbm4b:s2+s11], $0x1, v2, vm0, $0x4038;
	[tilespmem:$0x1100] =	vst v63  }
0x77: {  	(ifvalue) =	ssetifvalue $0x7FFFFFFF;
	v2 =	vnsel vm1, $0x7FFFFFFF, v53  }
0x78: {  	s31 =	sadd.s32 $0x180, s21;
	(ifvalue) =	ssetifvalue $0x7FFFFFFF  }
0x79: {  	v54 =	vor.u32 $0x280, v1;
	[tilespmem:s31], [sflag:$0x1] =	stream.indirect_vreg.gather [hbm4b:s2+s11], $0x1, v3, vm0, $0x4038;
	[tilespmem:$0x1100] =	vst v63  }
0x7a: {  	v3 =	vnsel vm1, $0x7FFFFFFF, v54;
	(ifvalue) =	ssetifvalue $0x7FFFFFFF  }
0x7b: {  	s16 =	sadd.s32 $0x200, s21;
	(ifvalue) =	ssetifvalue $0x7FFFFFFF  }
0x7c: {  	v55 =	vor.u32 $0x300, v1;
	[tilespmem:s16], [sflag:$0x1] =	stream.indirect_vreg.gather [hbm4b:s2+s11], $0x1, v2, vm0, $0x4038;
	[tilespmem:$0x1100] =	vst v63  }
0x7d: {  	(ifvalue) =	ssetifvalue $0x7FFFFFFF;
	v2 =	vnsel vm1, $0x7FFFFFFF, v55  }
0x7e: {  	s19 =	sadd.s32 $0x280, s21;
	(ifvalue) =	ssetifvalue $0x7FFFFFFF  }
0x7f: {  	v56 =	vor.u32 $0x380, v1;
	[tilespmem:s19], [sflag:$0x1] =	stream.indirect_vreg.gather [hbm4b:s2+s11], $0x1, v3, vm0, $0x4038;
	[tilespmem:$0x1100] =	vst v63  }
0x80: {  	v3 =	vnsel vm1, $0x7FFFFFFF, v56;
	(ifvalue) =	ssetifvalue $0x7FFFFFFF  }
0x81: {  	s22 =	sadd.s32 $0x300, s21;
	(ifvalue) =	ssetifvalue $0x7FFFFFFF  }
0x82: {  	v57 =	vadd.s32 $0xC35000, v1;
	[tilespmem:s22], [sflag:$0x1] =	stream.indirect_vreg.gather [hbm4b:s2+s11], $0x1, v2, vm0, $0x4038;
	[tilespmem:$0x1100] =	vst v63  }
0x83: {  	(ifvalue) =	ssetifvalue $0x7FFFFFFF;
	v2 =	vnsel vm1, $0x7FFFFFFF, v57  }
0x84: {  	s23 =	sadd.s32 $0x380, s21;
	(ifvalue) =	ssetifvalue $0x7FFFFFFF  }
0x85: {  	v58 =	vadd.s32 $0xC35080, v1;
	[tilespmem:s23], [sflag:$0x1] =	stream.indirect_vreg.gather [hbm4b:s2+s11], $0x1, v3, vm0, $0x4038;
	[tilespmem:$0x1100] =	vst v63  }
0x86: {  	v3 =	vnsel vm1, $0x7FFFFFFF, v58;
	(ifvalue) =	ssetifvalue $0x7FFFFFFF  }
0x87: {  	s24 =	sadd.s32 $0x400, s21;
	(ifvalue) =	ssetifvalue $0x7FFFFFFF  }
0x88: {  	v59 =	vadd.s32 $0xC35100, v1;
	[tilespmem:s24], [sflag:$0x1] =	stream.indirect_vreg.gather [hbm4b:s2+s11], $0x1, v2, vm0, $0x4038;
	[tilespmem:$0x1100] =	vst v63  }
0x89: {  	(ifvalue) =	ssetifvalue $0x7FFFFFFF;
	v2 =	vnsel vm1, $0x7FFFFFFF, v59  }
0x8a: {  	s25 =	sadd.s32 $0x480, s21;
	(ifvalue) =	ssetifvalue $0x7FFFFFFF  }
0x8b: {  	v60 =	vadd.s32 $0xC35180, v1;
	[tilespmem:s25], [sflag:$0x1] =	stream.indirect_vreg.gather [hbm4b:s2+s11], $0x1, v3, vm0, $0x4038;
	[tilespmem:$0x1100] =	vst v63  }
0x8c: {  	v3 =	vnsel vm1, $0x7FFFFFFF, v60;
	(ifvalue) =	ssetifvalue $0x7FFFFFFF  }
0x8d: {  	s26 =	sadd.s32 $0x500, s21;
	(ifvalue) =	ssetifvalue $0x7FFFFFFF  }
0x8e: {  	v61 =	vadd.s32 $0xC35200, v1;
	[tilespmem:s26], [sflag:$0x1] =	stream.indirect_vreg.gather [hbm4b:s2+s11], $0x1, v2, vm0, $0x4038;
	[tilespmem:$0x1100] =	vst v63  }
0x8f: {  	(ifvalue) =	ssetifvalue $0x7FFFFFFF;
	v2 =	vnsel vm1, $0x7FFFFFFF, v61  }
0x90: {  	s28 =	sadd.s32 $0x580, s21;
	(ifvalue) =	ssetifvalue $0x7FFFFFFF  }
0x91: {  	v62 =	vadd.s32 $0xC35280, v1;
	[tilespmem:s28], [sflag:$0x1] =	stream.indirect_vreg.gather [hbm4b:s2+s11], $0x1, v3, vm0, $0x4038;
	[tilespmem:$0x1100] =	vst v63  }
0x92: {  	v3 =	vnsel vm1, $0x7FFFFFFF, v62;
	(ifvalue) =	ssetifvalue $0x7FFFFFFF  }
0x93: {  	s29 =	sadd.s32 $0x600, s21;
	(ifvalue) =	ssetifvalue $0x7FFFFFFF  }
0x94: {  	v63 =	vadd.s32 $0xC35300, v1;
	[tilespmem:s29], [sflag:$0x1] =	stream.indirect_vreg.gather [hbm4b:s2+s11], $0x1, v2, vm0, $0x4038;
	[tilespmem:$0x1100] =	vst v63  }
0x95: {  	(ifvalue) =	ssetifvalue $0x7FFFFFFF;
	v2 =	vnsel vm1, $0x7FFFFFFF, v63  }
0x96: {  	s31 =	sadd.s32 $0x680, s21;
	(ifvalue) =	ssetifvalue $0x7FFFFFFF  }
0x97: {  	v1 =	vadd.s32 $0xC35380, v1;
	[tilespmem:s31], [sflag:$0x1] =	stream.indirect_vreg.gather [hbm4b:s2+s11], $0x1, v3, vm0, $0x4038;
	[tilespmem:$0x1100] =	vst v63  }
0x98: {  	s20 =	sadd.s32 $0xFFFFFFF0, s20;
	v1 =	vnsel vm1, $0x7FFFFFFF, v1;
	s30 =	sshll.u32 s13, $0xB;
	(ifvalue) =	ssetifvalue $0x7FFFFFFF  }
0x99: {  	s15 =	sand.u32 $0x800, s30;
	s19 =	sadd.s32 $0x700, s21;
	(ifvalue) =	ssetifvalue $0x7FFFFFFF  }
0x9a: {  	[tilespmem:s19], [sflag:$0x1] =	stream.indirect_vreg.gather [hbm4b:s2+s11], $0x1, v2, vm0, $0x4038;
	[tilespmem:$0x1100] =	vst v63  }
0x9b: {  	s16 =	sor.u32 $0x100, s15;
	s22 =	simm.s32 $0x80;
	(ifvalue) =	ssetifvalue $0x7FFFFFFF  }
0x9c: {  	s23 =	sadd.s32 $0x780, s21;
	s19 =	simm.s32 $0x10;
	(ifvalue) =	ssetifvalue $0x7FFFFFFF  }
.LBB2_3:
0x9d: {  	[tilespmem:s23], [sflag:$0x1] =	stream.indirect_vreg.gather [hbm4b:s2+s11], $0x1, v1, vm0, $0x4038;
	[tilespmem:$0x1100] =	vst v63  }
0x9e: {  	s21 =	smov.u32 s22  }
0x9f: {  	s24 =	sadd.s32 s19, s17;
	s23 =	sshra.s32 s21, $0x2;
	s21 =	sadd.s32 $0x40, s22  }
0xa0: {  	p1 =	sne.s32 s22, $0x1C0;
	v1 =	vld.msk [tilespmem:s24+$0x0 ss:$0x1], $0xffff  }
0xa1: {  	(ifvalue) =	ssetifvalue $0x7FFFFFFF;
	_ =	sdelay $0x3  }
0xa2: {  	vm1 =	vgt.s32 v1, $0x0  }
0xa3: {  	p2 =	sgt.s32 s20, $0x0;
	s22 =	smov.u32 s20;
	v1 =	vnsel vm1, $0x0, v1  }
0xa4: {  	s22 =	simm.s32 @!p2 $0x0;
	v1 =	vmin.u32 v1, $0x1869FF  }
0xa5: {  	s22 =	smin.u32 s22, $0x10;
	v2 =	vshll.u32 v1, $0x3  }
0xa6: {  	v3 =	vmov s22;
	v1 =	vand.u32 $0x7F, v1;
	v2 =	vand.u32 $0xFFFC00, v2  }
0xa7: {  	vm1 =	vgt.u32 v3, v0;
	v1 =	vor.u32 v1, v2  }
0xa8: {  	v2 =	vnsel vm1, $0x7FFFFFFF, v1  }
0xa9: {  	v3 =	vor.u32 $0x80, v1;
	v4 =	vor.u32 $0x100, v1;
	v5 =	vor.u32 $0x180, v1  }
0xaa: {  	v6 =	vor.u32 $0x200, v1;
	v7 =	vor.u32 $0x280, v1;
	v8 =	vor.u32 $0x300, v1  }
0xab: {  	v9 =	vor.u32 $0x380, v1;
	v10 =	vadd.s32 $0xC35000, v1;
	v11 =	vadd.s32 $0xC35080, v1  }
0xac: {  	v12 =	vadd.s32 $0xC35100, v1;
	v13 =	vadd.s32 $0xC35180, v1;
	v3 =	vnsel vm1, $0x7FFFFFFF, v3  }
0xad: {  	s22 =	sadd.s32 s19, s18;
	s19 =	smov.u32 s23;
	v14 =	vadd.s32 $0xC35200, v1;
	v15 =	vadd.s32 $0xC35300, v1;
	(ifvalue) =	ssetifvalue $0x7FFFFFFF  }
0xae: {  	[tilespmem:s22], [sflag:$0x1] =	stream.indirect_vreg.gather [hbm4b:s2+s11], $0x1, v2, vm0, $0x4038;
	v2 =	vadd.s32 $0xC35280, v1;
	v1 =	vadd.s32 $0xC35380, v1;
	[tilespmem:$0x1100] =	vst v63  }
0xaf: {  	v4 =	vnsel vm1, $0x7FFFFFFF, v4;
	(ifvalue) =	ssetifvalue $0x7FFFFFFF  }
0xb0: {  	s23 =	sadd.s32 $0x80, s22;
	(ifvalue) =	ssetifvalue $0x7FFFFFFF  }
0xb1: {  	[tilespmem:s23], [sflag:$0x1] =	stream.indirect_vreg.gather [hbm4b:s2+s11], $0x1, v3, vm0, $0x4038;
	[tilespmem:$0x1100] =	vst v63  }
0xb2: {  	v3 =	vnsel vm1, $0x7FFFFFFF, v5;
	(ifvalue) =	ssetifvalue $0x7FFFFFFF  }
0xb3: {  	s23 =	sadd.s32 $0x100, s22;
	(ifvalue) =	ssetifvalue $0x7FFFFFFF  }
0xb4: {  	[tilespmem:s23], [sflag:$0x1] =	stream.indirect_vreg.gather [hbm4b:s2+s11], $0x1, v4, vm0, $0x4038;
	[tilespmem:$0x1100] =	vst v63  }
0xb5: {  	v4 =	vnsel vm1, $0x7FFFFFFF, v6;
	(ifvalue) =	ssetifvalue $0x7FFFFFFF  }
0xb6: {  	s23 =	sadd.s32 $0x180, s22;
	(ifvalue) =	ssetifvalue $0x7FFFFFFF  }
0xb7: {  	[tilespmem:s23], [sflag:$0x1] =	stream.indirect_vreg.gather [hbm4b:s2+s11], $0x1, v3, vm0, $0x4038;
	[tilespmem:$0x1100] =	vst v63  }
0xb8: {  	v3 =	vnsel vm1, $0x7FFFFFFF, v7;
	(ifvalue) =	ssetifvalue $0x7FFFFFFF  }
0xb9: {  	s23 =	sadd.s32 $0x200, s22;
	(ifvalue) =	ssetifvalue $0x7FFFFFFF  }
0xba: {  	[tilespmem:s23], [sflag:$0x1] =	stream.indirect_vreg.gather [hbm4b:s2+s11], $0x1, v4, vm0, $0x4038;
	[tilespmem:$0x1100] =	vst v63  }
0xbb: {  	v4 =	vnsel vm1, $0x7FFFFFFF, v8;
	(ifvalue) =	ssetifvalue $0x7FFFFFFF  }
0xbc: {  	s23 =	sadd.s32 $0x280, s22;
	(ifvalue) =	ssetifvalue $0x7FFFFFFF  }
0xbd: {  	[tilespmem:s23], [sflag:$0x1] =	stream.indirect_vreg.gather [hbm4b:s2+s11], $0x1, v3, vm0, $0x4038;
	[tilespmem:$0x1100] =	vst v63  }
0xbe: {  	v3 =	vnsel vm1, $0x7FFFFFFF, v9;
	(ifvalue) =	ssetifvalue $0x7FFFFFFF  }
0xbf: {  	s23 =	sadd.s32 $0x300, s22;
	(ifvalue) =	ssetifvalue $0x7FFFFFFF  }
0xc0: {  	[tilespmem:s23], [sflag:$0x1] =	stream.indirect_vreg.gather [hbm4b:s2+s11], $0x1, v4, vm0, $0x4038;
	[tilespmem:$0x1100] =	vst v63  }
0xc1: {  	v4 =	vnsel vm1, $0x7FFFFFFF, v10;
	(ifvalue) =	ssetifvalue $0x7FFFFFFF  }
0xc2: {  	s23 =	sadd.s32 $0x380, s22;
	(ifvalue) =	ssetifvalue $0x7FFFFFFF  }
0xc3: {  	[tilespmem:s23], [sflag:$0x1] =	stream.indirect_vreg.gather [hbm4b:s2+s11], $0x1, v3, vm0, $0x4038;
	[tilespmem:$0x1100] =	vst v63  }
0xc4: {  	v3 =	vnsel vm1, $0x7FFFFFFF, v11;
	(ifvalue) =	ssetifvalue $0x7FFFFFFF  }
0xc5: {  	s23 =	sadd.s32 $0x400, s22;
	(ifvalue) =	ssetifvalue $0x7FFFFFFF  }
0xc6: {  	[tilespmem:s23], [sflag:$0x1] =	stream.indirect_vreg.gather [hbm4b:s2+s11], $0x1, v4, vm0, $0x4038;
	[tilespmem:$0x1100] =	vst v63  }
0xc7: {  	v4 =	vnsel vm1, $0x7FFFFFFF, v12;
	(ifvalue) =	ssetifvalue $0x7FFFFFFF  }
0xc8: {  	s23 =	sadd.s32 $0x480, s22;
	(ifvalue) =	ssetifvalue $0x7FFFFFFF  }
0xc9: {  	[tilespmem:s23], [sflag:$0x1] =	stream.indirect_vreg.gather [hbm4b:s2+s11], $0x1, v3, vm0, $0x4038;
	[tilespmem:$0x1100] =	vst v63  }
0xca: {  	v3 =	vnsel vm1, $0x7FFFFFFF, v13;
	(ifvalue) =	ssetifvalue $0x7FFFFFFF  }
0xcb: {  	s23 =	sadd.s32 $0x500, s22;
	(ifvalue) =	ssetifvalue $0x7FFFFFFF  }
0xcc: {  	[tilespmem:s23], [sflag:$0x1] =	stream.indirect_vreg.gather [hbm4b:s2+s11], $0x1, v4, vm0, $0x4038;
	[tilespmem:$0x1100] =	vst v63  }
0xcd: {  	v4 =	vnsel vm1, $0x7FFFFFFF, v14;
	(ifvalue) =	ssetifvalue $0x7FFFFFFF  }
0xce: {  	s23 =	sadd.s32 $0x580, s22;
	(ifvalue) =	ssetifvalue $0x7FFFFFFF  }
0xcf: {  	[tilespmem:s23], [sflag:$0x1] =	stream.indirect_vreg.gather [hbm4b:s2+s11], $0x1, v3, vm0, $0x4038;
	[tilespmem:$0x1100] =	vst v63  }
0xd0: {  	v2 =	vnsel vm1, $0x7FFFFFFF, v2;
	(ifvalue) =	ssetifvalue $0x7FFFFFFF  }
0xd1: {  	s23 =	sadd.s32 $0x600, s22;
	(ifvalue) =	ssetifvalue $0x7FFFFFFF  }
0xd2: {  	[tilespmem:s23], [sflag:$0x1] =	stream.indirect_vreg.gather [hbm4b:s2+s11], $0x1, v4, vm0, $0x4038;
	[tilespmem:$0x1100] =	vst v63  }
0xd3: {  	v3 =	vnsel vm1, $0x7FFFFFFF, v15;
	(ifvalue) =	ssetifvalue $0x7FFFFFFF  }
0xd4: {  	s23 =	sadd.s32 $0x680, s22;
	(ifvalue) =	ssetifvalue $0x7FFFFFFF  }
0xd5: {  	[tilespmem:s23], [sflag:$0x1] =	stream.indirect_vreg.gather [hbm4b:s2+s11], $0x1, v2, vm0, $0x4038;
	[tilespmem:$0x1100] =	vst v63  }
.Ltmp3:
0xd6: {  	v1 =	vnsel vm1, $0x7FFFFFFF, v1;
	(ifvalue) =	ssetifvalue $0x7FFFFFFF;
	(pc) =	sbr.rel @p1 .LBB2_3-.Ltmp3, $4  }
0xd7: {  	s23 =	sadd.s32 $0x700, s22;
	(ifvalue) =	ssetifvalue $0x7FFFFFFF  }
0xd8: {  	[tilespmem:s23], [sflag:$0x1] =	stream.indirect_vreg.gather [hbm4b:s2+s11], $0x1, v3, vm0, $0x4038;
	[tilespmem:$0x1100] =	vst v63  }
0xd9: {  	s20 =	sadd.s32 $0xFFFFFFF0, s20;
	(ifvalue) =	ssetifvalue $0x7FFFFFFF  }
0xda: {  	s23 =	sadd.s32 $0x780, s22;
	s22 =	smov.u32 s21;
	(ifvalue) =	ssetifvalue $0x7FFFFFFF  }
.Ltmp4:
0xdb: {  	_ = 	snop;
	(pc) =	sbr.rel .LBB2_4-.Ltmp4, $1  }
0xdc: {  	_ =	sdelay $0x3  }
.LBB2_6:
0xdd: {  	_ =	sfence.sel $0x180000  }
0xde: {  	s2 =	simm.s32 $0x2;
	[bflag:$0x0] =	sbarrier.arrive $0xFFFF  }
0xdf: {  	s30 =	simm.s32 $0x3;
	[sflag:s2] =	ssyncpa.u1 $0x1  }
0xe0: {  	s31 =	simm.s32 $0x1;
	[sflag:s30] =	ssyncpa.u1 $0x1  }
0xe1: {  	[sflag:s31] =	ssyncpa.u1 $0x1  }
0xe2: {  	p0 =	sne.s32 s0, $0x0;
	_ =	strace $0x90000053  }
0xe3: {  	s0 =	sadd.s32 @!p0 $0x100000, s1;
	[bflag:$0x2] =	sbarrier.arrive $0xFFFF  }
0xe4: {  	[sflag:s0] =	ssyncadd.tile.s32 @!p0 $0x1;
	_ =	shalt  }
.Lfunc_end2:
_tile_overlayer_lowered:
.L_overlay_start_2:
0xe5: {  	(tag) =	ssettag $0x2  }
0xe6: {  	s0 =	rddreg [dreg:$0x0];
	s2 =	stileid.u32  }
0xe7: {  	s1 =	rddreg [dreg:$0x1];
	p0 =	sne.s32 s2, $0x0  }
0xe8: {  	s3 =	rddreg [dreg:$0x2];
	[bflag:$0x3] =	sbarrier.arrive $0xFFFF;
	s2 =	simm.s32 @!p0 $0x1C01  }
0xe9: {  	[timem:s3], [sflag:s2] =	dma.local @!p0 [hbm:s0], s1  }
0xea: {  	s0 =	simm.s32 @!p0 $0x1  }
0xeb: {  	_ =	swait.ge @!p0 [sflag:s0], s1  }
0xec: {  	s1 =	ssub.s32 @!p0 $0x0, s1;
	[sflag:s0] =	ssyncset.done @!p0 $0x0  }
0xed: {  	[sflag:s0] =	ssyncadd.s32 @!p0 s1  }
0xee: {  	[bflag:$0x3] =	sbarrier.arrive $0xFFFF  }
0xef: {  	_ =	shalt  }

// kernel: gather_offload_async_start
scs
__scs_entry_jumppad:
0x0: {  	(pc) =	sbr.rel $0x88, $3  }
0x1: {  	(tag) =	ssettag $0x0;
	lr =	simm.s32 $0x1  }
0x2: {  	[smem:$0x3F82] =	sst lr;
	_ =	strace $0xD0000000  }
0x3: {  	_ = 	snop  }
0x4: {  	_ = 	snop  }
0x5: {  	_ = 	snop  }
0x6: {  	_ = 	snop  }
0x7: {  	_ = 	snop  }
__scs_overlays_trampoline_lowered:
0x8: {  	[smem:$0x3F91] =	sst s0  }
0x9: {  	[smem:$0x3F92] =	sst s1  }
0xa: {  	[smem:$0x3F93] =	sst s2  }
0xb: {  	[smem:$0x3F94] =	sst s3  }
0xc: {  	[smem:$0x3F95] =	sst s4  }
0xd: {  	[smem:$0x3F96] =	sst s5  }
0xe: {  	[smem:$0x3F97] =	sst s6  }
0xf: {  	[smem:$0x3F98] =	sst s7  }
0x10: {  	[smem:$0x3F99] =	sst s8  }
0x11: {  	[smem:$0x3F9A] =	sst s9;
	s0 =	simm.s32 @!p0 $0x0  }
0x12: {  	s1 =	sld [smem:$0x3F80];
	s0 =	simm.s32 @p0 $0x1  }
0x13: {  	[smem:$0x3F9B] =	sst s0;
	s0 =	simm.s32 @!p1 $0x0  }
0x14: {  	s2 =	sld [smem:$0x3F7F];
	s0 =	simm.s32 @p1 $0x1  }
0x15: {  	[smem:$0x3F9C] =	sst s0;
	s0 =	simm.s32 @!p2 $0x0  }
0x16: {  	s3 =	sld [smem:$0x3FDB];
	s0 =	simm.s32 @p2 $0x1  }
0x17: {  	s4 =	simm.s32 $0x1BF5;
	[smem:$0x3F9E] =	sst s0  }
0x18: {  	s0 =	sld [smem:$0x3F81];
	_ =	swait.ge [sflag:s4], $0x0  }
0x19: {  	s7 =	sld [smem:$0x3F82]  }
0x1a: {  	s8 =	sadd.s32 $0xFFFFE003, lr  }
0x1b: {  	s9 =	sadd.s32 $0xFFFFFEF7, lr;
	s5 =	simm.s32 $0xFFFFFFFF;
	p2 =	slt.u32 s8, $0xFFFFF086  }
0x1c: {  	p1 =	slt.u32 s9, $0xF7A;
	s5 =	simm.s32 @!p2 $0x0  }
0x1d: {  	s5 =	simm.s32 @p1 $0x1;
	p0 =	seq.s32 s7, s2  }
0x1e: {  	s7 =	smul.u32 @!p0 $0xF7A, s2;
	p2 =	seq.s32 @!p0 s5, $0x0  }
0x1f: {  	s9 =	smul.u32 $0xF7A, s1;
	s8 =	simm.s32 @!p0 $0x1BF5;
	p2 =	por !p2, p0  }
0x20: {  	[sflag:s8] =	ssyncset.s32 @!p0 $0xFFFFF086;
	s6 =	sadd.s32 @!p0 s3, s7;
	s7 =	simm.s32 @!p0 $0x108  }
0x21: {  	s3 =	sadd.s32 s3, s9;
	s6 =	sadd.s32 @!p0 $0x88, s6;
	s7 =	simm.s32 @p2 $0x1082  }
0x22: {  	[simem:s7], [sflag:s8] =	dma.local @!p0 [hbm:s6], $0xF7A  }
0x23: {  	s9 =	sor.u32 $0xD0000000, s2;
	s6 =	simm.s32 $0x108;
	_ =	swait.ge @!p0 [sflag:s8], $0x0  }
0x24: {  	s3 =	sadd.s32 $0x88, s3;
	s6 =	simm.s32 @!p1 $0x1082;
	[sflag:s4] =	ssyncset.s32 $0xFFFFF086  }
0x25: {  	[simem:s6], [sflag:s4] =	dma.local [hbm:s3], $0xF7A  }
0x26: {  	[smem:$0x3F82] =	sst s1;
	(tag) =	ssettag s2;
	_ =	strace s9  }
0x27: {  	s1 =	sld [smem:$0x3F92]  }
0x28: {  	s2 =	sld [smem:$0x3F93]  }
0x29: {  	s4 =	sld [smem:$0x3F95]  }
0x2a: {  	p0 =	seq.s32 s5, $0x0;
	s5 =	sld [smem:$0x3F96]  }
0x2b: {  	s6 =	sld [smem:$0x3F97]  }
0x2c: {  	s7 =	sld [smem:$0x3F98]  }
0x2d: {  	s3 =	simm.s32 $0x108;
	s8 =	sld [smem:$0x3F99]  }
0x2e: {  	s3 =	simm.s32 @!p0 $0x1082;
	s9 =	sld [smem:$0x3F9A]  }
0x2f: {  	lr =	sadd.s32 s0, s3;
	s0 =	sld [smem:$0x3F91]  }
0x30: {  	s3 =	sld [smem:$0x3F94]  }
0x31: {  	[smem:$0x3F9D] =	sst s10  }
0x32: {  	s10 =	sld [smem:$0x3F9B];
	_ =	sdelay $0x3  }
0x33: {  	p0 =	seq.s32 s10, $0x1;
	s10 =	sld [smem:$0x3F9D];
	_ =	sdelay $0x3  }
0x34: {  	[smem:$0x3F9D] =	sst s10  }
0x35: {  	s10 =	sld [smem:$0x3F9C];
	_ =	sdelay $0x3  }
0x36: {  	p1 =	seq.s32 s10, $0x1;
	s10 =	sld [smem:$0x3F9D];
	_ =	sdelay $0x3  }
0x37: {  	[smem:$0x3F9D] =	sst s10  }
0x38: {  	s10 =	sld [smem:$0x3F9E]  }
0x39: {  	_ = 	snop;
	(pc) =	sbr.ind lr, $3  }
0x3a: {  	_ = 	snop  }
0x3b: {  	_ = 	snop  }
0x3c: {  	p2 =	seq.s32 s10, $0x1;
	s10 =	sld [smem:$0x3F9D]  }
0x3d: {  	_ =	shalt  }
0x3e: {  	_ =	shalt  }
0x3f: {  	_ =	shalt  }
0x40: {  	_ =	shalt  }
0x41: {  	_ =	shalt  }
0x42: {  	_ =	shalt  }
0x43: {  	_ =	shalt  }
0x44: {  	_ =	shalt  }
0x45: {  	_ =	shalt  }
0x46: {  	_ =	shalt  }
0x47: {  	_ =	shalt  }
0x48: {  	_ =	shalt  }
0x49: {  	_ =	shalt  }
0x4a: {  	_ =	shalt  }
0x4b: {  	_ =	shalt  }
0x4c: {  	_ =	shalt  }
0x4d: {  	_ =	shalt  }
0x4e: {  	_ =	shalt  }
0x4f: {  	_ =	shalt  }
0x50: {  	_ =	shalt  }
0x51: {  	_ =	shalt  }
0x52: {  	_ =	shalt  }
0x53: {  	_ =	shalt  }
0x54: {  	_ =	shalt  }
0x55: {  	_ =	shalt  }
0x56: {  	_ =	shalt  }
0x57: {  	_ =	shalt  }
0x58: {  	_ =	shalt  }
0x59: {  	_ =	shalt  }
0x5a: {  	_ =	shalt  }
0x5b: {  	_ =	shalt  }
0x5c: {  	_ =	shalt  }
0x5d: {  	_ =	shalt  }
0x5e: {  	_ =	shalt  }
0x5f: {  	_ =	shalt  }
0x60: {  	_ =	shalt  }
0x61: {  	_ =	shalt  }
0x62: {  	_ =	shalt  }
0x63: {  	_ =	shalt  }
0x64: {  	_ =	shalt  }
0x65: {  	_ =	shalt  }
0x66: {  	_ =	shalt  }
0x67: {  	_ =	shalt  }
0x68: {  	_ =	shalt  }
0x69: {  	_ =	shalt  }
0x6a: {  	_ =	shalt  }
0x6b: {  	_ =	shalt  }
0x6c: {  	_ =	shalt  }
0x6d: {  	_ =	shalt  }
0x6e: {  	_ =	shalt  }
0x6f: {  	_ =	shalt  }
0x70: {  	_ =	shalt  }
0x71: {  	_ =	shalt  }
0x72: {  	_ =	shalt  }
0x73: {  	_ =	shalt  }
0x74: {  	_ =	shalt  }
0x75: {  	_ =	shalt  }
0x76: {  	_ =	shalt  }
0x77: {  	_ =	shalt  }
0x78: {  	_ =	shalt  }
0x79: {  	_ =	shalt  }
0x7a: {  	_ =	shalt  }
0x7b: {  	_ =	shalt  }
0x7c: {  	_ =	shalt  }
0x7d: {  	_ =	shalt  }
0x7e: {  	_ =	shalt  }
0x7f: {  	_ =	shalt  }
0x80: {  	_ =	shalt  }
0x81: {  	_ =	shalt  }
0x82: {  	_ =	shalt  }
0x83: {  	_ =	shalt  }
0x84: {  	_ =	shalt  }
0x85: {  	_ =	shalt  }
0x86: {  	_ =	shalt  }
0x87: {  	_ =	shalt  }
.Lfunc_end0:
.L_simem_size_0:
called_computation.2_lowered:
.L_overlay_start_0:
0x88: {  	s2 =	sld [smem:$0x3FD9]  }
0x89: {  	s3 =	sld [smem:$0x3FFE];
	_ =	sdelay $0x1  }
0x8a: {  	s1 =	srdreg.scid  }
0x8b: {  	s0 =	sand.u32 $0x1, s1  }
0x8c: {  	s14 =	sshll.u32 s0, $0xA;
	s2 =	sadd.s32 s3, s2  }
0x8d: {  	s2 =	sadd.s32 s2, s14  }
0x8e: {  	[smem:$0x3FA9] =	sst s2  }
0x8f: {  	_ = 	snop  }
0x90: {  	s2 =	sld [smem:$0x3FD0];
	_ =	sdelay $0x2  }
0x91: {  	s15 =	simm.s32 $0xA;
	s4 =	simm.s32 $0x10  }
0x92: {  	[smem:s4], [sflag:s15] =	dma.local [hbm:s2], $0x1  }
0x93: {  	_ =	swait.eq [sflag:s15], $0x1  }
0x94: {  	[sflag:s15] =	ssyncset.done $0x0  }
0x95: {  	[sflag:s15] =	ssyncadd.s32 $0xFFFFFFFF  }
0x96: {  	s16 =	sld [smem:$0x12];
	(tm) =	ssettm $0x1  }
0x97: {  	s17 =	sld [smem:$0x3FFB];
	_ =	sdelay $0x3  }
0x98: {  	_ =	strace s17  }
0x99: {  	s3 =	sld [smem:$0x3FFC];
	_ =	sdelay $0x3  }
0x9a: {  	_ =	strace s3  }
0x9b: {  	s3 =	sld [smem:$0x3FFD];
	_ =	sdelay $0x3  }
0x9c: {  	_ =	strace s3  }
0x9d: {  	_ =	strace $0x8FFFFFFF  }
0x9e: {  	s18 =	sld [smem:$0x3FDB];
	_ =	sdelay $0x1  }
0x9f: {  	s19 =	simm.s32 $_scs_section_size  }
0xa0: {  	s5 =	simm.s32 $_size__tile_overlayer_lowered;
	s6 =	simm.s32 $_tile_overlayer_lowered  }
0xa1: {  	s22 =	simm.s32 $0x1BFF;
	s21 =	sshll.u32 s6, $0x1;
	s3 =	sadd.s32 s19, s18  }
0xa2: {  	s7 =	simm.s32 $0x0;
	s20 =	sshll.u32 s5, $0x1;
	s5 =	sadd.s32 s21, s3  }
0xa3: {  	[timem:s7], [sflag:s22] =	dma.local [hbm:s5], s20  }
0xa4: {  	_ =	swait.ge [sflag:s22], s20  }
0xa5: {  	s4 =	ssub.s32 $0x0, s20;
	[sflag:s22] =	ssyncset.done $0x0  }
0xa6: {  	[sflag:s22] =	ssyncadd.s32 s4;
	_ =	sdelay $0x1  }
0xa7: {  	s23 =	simm.s32 $0x1B8B  }
0xa8: {  	_ =	swait.ge [sflag:s23], $0x1  }
0xa9: {  	[sflag:s23] =	ssyncset.done $0x0  }
0xaa: {  	s25 =	simm.s32 $0x1B8E;
	s24 =	sld [smem:$0x3FFE];
	[sflag:s23] =	ssyncadd.s32 $0xFFFFFFFF  }
0xab: {  	s26 =	simm.s32 $execute0_lowered;
	[smem:$0x3FD2] =	sst s25  }
0xac: {  	s5 =	sshll.u32 s26, $0x1;
	_ =	strace $0x80000046;
	[dreg:$0x1] =	wrdreg $0xFFFFFFFF  }
0xad: {  	s28 =	simm.s32 $_size_execute0_lowered;
	s3 =	sadd.s32 s3, s5;
	[dreg:$0x0] =	wrdreg $0x0  }
0xae: {  	s5 =	sshll.u32 s28, $0x1;
	[dreg:$0x2] =	wrdreg s3  }
0xaf: {  	[dreg:$0x3] =	wrdreg s5  }
0xb0: {  	[dreg:$0x4] =	wrdreg $0xC0  }
0xb1: {  	_ =	task [dreg:s7], $0x5FFFF  }
0xb2: {  	[dreg:$0x1] =	wrdreg $0xFFFFFFFF  }
0xb3: {  	[dreg:$0x0] =	wrdreg $0x60  }
0xb4: {  	[dreg:$0x2] =	wrdreg s24  }
0xb5: {  	[dreg:$0x3] =	wrdreg s16  }
0xb6: {  	[dreg:$0x4] =	wrdreg $0x9  }
0xb7: {  	_ =	task.clear_ibuf [dreg:s7], $0x5FFFF;
	_ =	strace $0x90000046  }
0xb8: {  	s29 =	simm.s32 $0x9;
	_ =	strace $0x80000048  }
0xb9: {  	_ =	swait.ge [sflag:s29], $0x1  }
0xba: {  	[sflag:s29] =	ssyncadd.s32 $0xFFFFFFFF  }
0xbb: {  	_ =	strace $0x90000048  }
0xbc: {  	_ =	sfence  }
0xbd: {  	s30 =	sld [smem:$0x0];
	_ =	sdelay $0x2  }
0xbe: {  	s31 =	sshll.u32 s1, $0xD;
	s1 =	sshrl.u32 s1, $0x2  }
0xbf: {  	s3 =	sand.u32 $0x4000, s31;
	s1 =	sadd.s32 s1, s30  }
0xc0: {  	s0 =	sor.u32 s3, s0;
	s1 =	sshll.u32 s1, $0x11  }
0xc1: {  	s0 =	sor.u32 s1, s0  }
0xc2: {  	s0 =	sadd.s32 $0x8F2B, s0  }
0xc3: {  	[sflag:s0] =	ssyncadd.remote.s32 $0x1  }
0xc4: {  	_ =	sfence.sel $0xFFFF  }
0xc5: {  	[dreg:$0x0] =	wrdreg $0xFFFFFFFF;
	(pc) =	sbr.abs _section_cstart, $3  }
0xc6: {  	[dreg:$0x1] =	wrdreg $0xFFFFFFFF  }
0xc7: {  	_ =	task.clear_ibuf [dreg:s7], $0x2FFFF;
	_ =	strace $0x9FFFFFFF  }
0xc8: {  	(tm) =	ssettm $0x7FFFFFFF  }
0xc9: {  	_ =	shalt  }
tec
execute0_lowered:
.L_overlay_start_1:
0x0: {  	(tag) =	ssettag $0x1  }
0x1: {  	s0 =	srdreg.scid  }
0x2: {  	s1 =	sshll.u32 s0, $0x4  }
0x3: {  	s0 =	stileid.u32;
	s1 =	sand.u32 $0x10, s1  }
0x4: {  	s2 =	sor.u32 s0, s1  }
0x5: {  	s1 =	smul.u32 $0x7, s2  }
0x6: {  	s3 =	smin.u32 s2, $0x1A  }
0x7: {  	s1 =	sadd.s32 s3, s1  }
0x8: {  	p0 =	slt.u32 s2, $0x1A;
	s2 =	simm.s32 $0xC80;
	s1 =	smul.u32 $0x190, s1  }
0x9: {  	s2 =	simm.s32 @!p0 $0xAF0  }
0xa: {  	s2 =	sadd.s32 s2, s1  }
0xb: {  	s3 =	smin.u32 s2, $0x186A0  }
0xc: {  	s7 =	ssub.s32 s3, s1  }
0xd: {  	p0 =	sgt.s32 s7, $0x0  }
0xe: {  	s7 =	simm.s32 @!p0 $0x0  }
0xf: {  	s9 =	rddreg [dreg:$0x0];
	s31 =	smulhi.u32 $0x51EB851F, s7  }
0x10: {  	s4 =	rddreg [dreg:$0x1];
	s6 =	simm.s32 $0x1  }
0x11: {  	s11 =	simm.s32 $0x3;
	s13 =	simm.s32 $0x0;
	s8 =	sshrl.u32 s31, $0x7  }
0x12: {  	s12 =	simm.s32 $0x0;
	s5 =	sadd.s32 $0x3D0C00, s9;
	s10 =	smul.u32 $0x190, s8  }
.Ltmp0:
0x13: {  	s9 =	sadd.s32 $0x200, s9;
	s2 =	rddreg [dreg:$0x2];
	(pc) =	sbr.rel .LBB2_1-.Ltmp0, $4  }
0x14: {  	_ =	strace $0x80000047;
	p0 =	sne.s32 s7, s10;
	s10 =	simm.s32 $0x1  }
0x15: {  	[sflag:s6] =	ssyncpa.u1 $0x0;
	s7 =	simm.s32 $0x2;
	s10 =	simm.s32 @!p0 $0x0  }
0x16: {  	[sflag:s7] =	ssyncpa.u1 $0x0;
	p0 =	por $0x0, $0x0;
	s8 =	sadd.s32 s10, s8  }
0x17: {  	vm0 =	vmmov $0xff;
	vm1 =	vcmask $0x3F20;
	[sflag:s11] =	ssyncpa.u1 $0x0;
	s11 =	smov.u32 s1;
	s10 =	sadd.s32 $0x1, s8  }
.LBB2_6:
0x18: {  	[hbm:s17] =	stream.linear.scatter [tilespmem:s14], [sflag:$0x3], $0x400, $0x38;
	[tilespmem:$0x19320] =	vst v63  }
.LBB2_7:
0x19: {  	s13 =	sadd.s32 $0x190, s11  }
0x1a: {  	s15 =	smov.u32 s1;
	p2 =	slt.s32 s13, s3  }
0x1b: {  	s15 =	smov.u32 @p2 s13;
	p2 =	sne.s32 s12, s10  }
.Ltmp1:
0x1c: {  	p1 =	slt.u32 s12, $0x2;
	(pc) =	sbr.rel @!p2 .LBB2_8-.Ltmp1, $4  }
0x1d: {  	s14 =	simm.s32 @!p1 $0x3  }
0x1e: {  	s16 =	sadd.s32 $0x1, s12;
	_ =	swait.ge @!p1 [sflag:s14], $0xC800  }
0x1f: {  	p0 =	por !p0, !p0;
	s13 =	smov.u32 s11;
	[sflag:s14] =	ssyncset.done @!p1 $0x0  }
0x20: {  	s12 =	smov.u32 s16;
	s11 =	smov.u32 s15;
	[sflag:s14] =	ssyncadd.s32 @!p1 $0xFFFF3800  }
.LBB2_1:
0x21: {  	p1 =	sge.u32 s12, s8  }
0x22: {  	s14 =	sxor.u32 @!p1 $0xFFFFFFFF, s12  }
0x23: {  	s14 =	sand.u32 @!p1 $0x1, s14  }
0x24: {  	s14 =	smul.u32 @!p1 $0x640, s14  }
0x25: {  	s31 =	sadd.s32 $0xFFFFFFFF, s12;
	s15 =	sshrl.u32 @!p1 s11, $0x3  }
0x26: {  	s16 =	sand.u32 @!p1 $0x7, s11;
	s15 =	sadd.s32 @!p1 s4, s15;
	s14 =	sshrl.u32 @!p1 s14, $0x2  }
0x27: {  	[tilespmem:s14], [sflag:$0x2] =	stream.linear.gather @!p1 [hbm4b:s15+s16], $0x190, $0x38;
	[tilespmem:$0x19320] =	vst v63  }
0x28: {  	p1 =	sge.u32 s31, s8  }
.Ltmp2:
0x29: {  	_ = 	snop;
	(pc) =	sbr.rel @p1 .LBB2_7-.Ltmp2, $1  }
0x2a: {  	_ =	sdelay $0x3  }
0x2b: {  	s14 =	simm.s32 $0x1  }
0x2c: {  	s14 =	simm.s32 @!p0 $0x0  }
0x2d: {  	s15 =	smul.u32 $0x640, s14  }
0x2e: {  	_ =	swait.ge [sflag:s7], $0x190  }
0x2f: {  	[sflag:s7] =	ssyncset.done $0x0;
	s16 =	sshrl.u32 s15, $0x2  }
0x30: {  	[sflag:s7] =	ssyncadd.s32 $0xFFFFFE70;
	s15 =	sadd.s32 $0x0, s16  }
0x31: {  	v0 =	vld.msk [tilespmem:s15+$0x0 ss:$0x1], $0xffff;
	_ =	sdelay $0x4  }
0x32: {  	vm2 =	vgt.s32 v0, $0x0  }
0x33: {  	v0 =	vnsel vm2, $0x0, v0  }
0x34: {  	v0 =	vmin.u32 v0, $0x61A7F  }
0x35: {  	v0 =	vshll.u32 v0, $0x4  }
0x36: {  	s14 =	smul.u32 $0x32000, s14;
	_ =	sdelay $0x1  }
0x37: {  	s14 =	sshrl.u32 s14, $0x2  }
0x38: {  	s14 =	sor.u32 $0x320, s14  }
0x39: {  	[tilespmem:s14], [sflag:$0x1] =	stream.indirect_vreg.gather [hbm:s5], $0x80, v0, vm0, $0x38;
	[tilespmem:$0x19320] =	vst v63  }
0x3a: {  	s17 =	sadd.s32 $0x10, s16;
	s15 =	sadd.s32 $0x400, s14  }
0x3b: {  	[tilespmem:s15], [sflag:$0x1] =	stream.indirect_vreg.gather [hbm:s5], $0x80, v0, vm1, $0x38;
	[tilespmem:$0x19320] =	vst v63  }
0x3c: {  	s18 =	simm.s32 $0x80;
	v0 =	vld.msk [tilespmem:s17+$0x0 ss:$0x1], $0xffff;
	s17 =	smov.u32 s14  }
.LBB2_3:
0x3d: {  	p1 =	sne.s32 s18, $0x600;
	_ =	sdelay $0x4  }
0x3e: {  	vm2 =	vgt.s32 v0, $0x0  }
0x3f: {  	v0 =	vnsel vm2, $0x0, v0  }
0x40: {  	v0 =	vmin.u32 v0, $0x61A7F  }
0x41: {  	v0 =	vshll.u32 v0, $0x4;
	_ =	sdelay $0x3  }
.Ltmp3:
0x42: {  	s19 =	sshra.s32 s18, $0x2;
	s17 =	sadd.s32 $0x800, s17;
	(pc) =	sbr.rel @p1 .LBB2_3-.Ltmp3, $4  }
0x43: {  	[tilespmem:s17], [sflag:$0x1] =	stream.indirect_vreg.gather [hbm:s5], $0x80, v0, vm0, $0x38;
	[tilespmem:$0x19320] =	vst v63  }
0x44: {  	s19 =	sadd.s32 s19, s16;
	s20 =	sadd.s32 $0x400, s17  }
0x45: {  	[tilespmem:s20], [sflag:$0x1] =	stream.indirect_vreg.gather [hbm:s5], $0x80, v0, vm1, $0x38;
	[tilespmem:$0x19320] =	vst v63  }
0x46: {  	s18 =	sadd.s32 $0x40, s18;
	v0 =	vld.msk [tilespmem:s19+$0x0 ss:$0x1], $0xffff  }
0x47: {  	_ =	sdelay $0x3  }
0x48: {  	vm2 =	vgt.s32 v0, $0x0  }
0x49: {  	v0 =	vnsel vm2, $0x0, v0  }
0x4a: {  	v0 =	vmin.u32 v0, $0x61A7F  }
0x4b: {  	v0 =	vshll.u32 v0, $0x4;
	_ =	sdelay $0x3  }
0x4c: {  	s16 =	sadd.s32 $0x800, s17  }
0x4d: {  	[tilespmem:s16], [sflag:$0x1] =	stream.indirect_vreg.gather [hbm:s5], $0x80, v0, vm0, $0x38;
	[tilespmem:$0x19320] =	vst v63  }
0x4e: {  	s16 =	sadd.s32 $0x400, s16  }
0x4f: {  	[tilespmem:s16], [sflag:$0x1] =	stream.indirect_vreg.gather [hbm:s5], $0x80, v0, vm1, $0x38;
	[tilespmem:$0x19320] =	vst v63  }
0x50: {  	s13 =	sshll.u32 s13, $0x4;
	_ =	swait.ge [sflag:s6], $0xC800  }
0x51: {  	s13 =	sadd.s32 s13, s9;
	[sflag:s6] =	ssyncset.done $0x0  }
0x52: {  	s17 =	sadd.s32 $0x0, s13;
	s16 =	simm.s32 $0x80;
	[sflag:s6] =	ssyncadd.s32 $0xFFFF3800  }
.LBB2_5:
0x53: {  	[hbm:s17] =	stream.linear.scatter [tilespmem:s14], [sflag:$0x3], $0x400, $0x38;
	[tilespmem:$0x19320] =	vst v63  }
0x54: {  	s17 =	smov.u32 s16;
	s14 =	smov.u32 s15;
	p1 =	sne.s32 s16, $0x1880  }
.Ltmp4:
0x55: {  	s16 =	sadd.s32 $0x80, s16;
	(pc) =	sbr.rel @p1 .LBB2_5-.Ltmp4, $2  }
0x56: {  	_ =	sdelay $0x2  }
0x57: {  	s15 =	sadd.s32 $0x400, s15;
	s17 =	sadd.s32 s17, s13  }
.Ltmp5:
0x58: {  	_ = 	snop;
	(pc) =	sbr.rel .LBB2_6-.Ltmp5, $1  }
0x59: {  	_ =	sdelay $0x3  }
.LBB2_8:
0x5a: {  	_ =	sfence.sel $0x180000  }
0x5b: {  	s1 =	simm.s32 $0x2;
	[bflag:$0x0] =	sbarrier.arrive $0xFFFF  }
0x5c: {  	s30 =	simm.s32 $0x3;
	[sflag:s1] =	ssyncpa.u1 $0x1  }
0x5d: {  	s31 =	simm.s32 $0x1;
	[sflag:s30] =	ssyncpa.u1 $0x1  }
0x5e: {  	[sflag:s31] =	ssyncpa.u1 $0x1  }
0x5f: {  	p0 =	sne.s32 s0, $0x0;
	_ =	strace $0x90000047  }
0x60: {  	s0 =	sadd.s32 @!p0 $0x100000, s2;
	[bflag:$0x2] =	sbarrier.arrive $0xFFFF  }
0x61: {  	[sflag:s0] =	ssyncadd.tile.s32 @!p0 $0x1;
	_ =	shalt  }
.Lfunc_end2:
_tile_overlayer_lowered:
.L_overlay_start_2:
0x62: {  	(tag) =	ssettag $0x2  }
0x63: {  	s0 =	rddreg [dreg:$0x0];
	s2 =	stileid.u32  }
0x64: {  	s1 =	rddreg [dreg:$0x1];
	p0 =	sne.s32 s2, $0x0  }
0x65: {  	s3 =	rddreg [dreg:$0x2];
	[bflag:$0x3] =	sbarrier.arrive $0xFFFF;
	s2 =	simm.s32 @!p0 $0x1C01  }
0x66: {  	[timem:s3], [sflag:s2] =	dma.local @!p0 [hbm:s0], s1  }
0x67: {  	s0 =	simm.s32 @!p0 $0x1  }
0x68: {  	_ =	swait.ge @!p0 [sflag:s0], s1  }
0x69: {  	s1 =	ssub.s32 @!p0 $0x0, s1;
	[sflag:s0] =	ssyncset.done @!p0 $0x0  }
0x6a: {  	[sflag:s0] =	ssyncadd.s32 @!p0 s1  }
0x6b: {  	[bflag:$0x3] =	sbarrier.arrive $0xFFFF  }
0x6c: {  	_ =	shalt  }

// kernel: sparse-core-data-format-call.1.cloned.1.call-start
scs
called_computation.1_lowered:
.L_overlay_start_0:
0x0: {  	s1 =	sld [smem:$0x3FD9]  }
0x1: {  	s2 =	sld [smem:$0x3FFE];
	_ =	sdelay $0x1  }
0x2: {  	s3 =	srdreg.scid  }
0x3: {  	s0 =	sand.u32 $0x1, s3  }
0x4: {  	s17 =	sshll.u32 s0, $0xA;
	s1 =	sadd.s32 s2, s1  }
0x5: {  	s1 =	sadd.s32 s1, s17  }
0x6: {  	[smem:$0x3FA9] =	sst s1  }
0x7: {  	_ = 	snop  }
0x8: {  	(tm) =	ssettm $0x1  }
0x9: {  	s18 =	sld [smem:$0x3FFB];
	_ =	sdelay $0x3  }
0xa: {  	_ =	strace s18  }
0xb: {  	s1 =	sld [smem:$0x3FFC];
	_ =	sdelay $0x3  }
0xc: {  	_ =	strace s1  }
0xd: {  	s1 =	sld [smem:$0x3FFD];
	_ =	sdelay $0x3  }
0xe: {  	_ =	strace s1  }
0xf: {  	_ =	strace $0x8FFFFFFF  }
0x10: {  	s19 =	sld [smem:$0x3FDB];
	_ =	sdelay $0x1  }
0x11: {  	s20 =	simm.s32 $_scs_section_size  }
0x12: {  	s4 =	simm.s32 $_size__tile_overlayer_lowered;
	s5 =	simm.s32 $_tile_overlayer_lowered  }
0x13: {  	s23 =	simm.s32 $0x1BFF;
	s22 =	sshll.u32 s5, $0x1;
	s1 =	sadd.s32 s20, s19  }
0x14: {  	s6 =	simm.s32 $0x0;
	s21 =	sshll.u32 s4, $0x1;
	s4 =	sadd.s32 s22, s1  }
0x15: {  	[timem:s6], [sflag:s23] =	dma.local [hbm:s4], s21  }
0x16: {  	_ =	swait.ge [sflag:s23], s21  }
0x17: {  	s2 =	ssub.s32 $0x0, s21;
	[sflag:s23] =	ssyncset.done $0x0  }
0x18: {  	[sflag:s23] =	ssyncadd.s32 s2;
	_ =	sdelay $0x1  }
0x19: {  	s24 =	simm.s32 $0x1B8B  }
0x1a: {  	_ =	swait.ge [sflag:s24], $0x1  }
0x1b: {  	[sflag:s24] =	ssyncset.done $0x0  }
0x1c: {  	s26 =	simm.s32 $0x1B8E;
	s25 =	sld [smem:$0x3FFE];
	[sflag:s24] =	ssyncadd.s32 $0xFFFFFFFF  }
0x1d: {  	s27 =	simm.s32 $execute0_lowered;
	[smem:$0x3FD2] =	sst s26  }
0x1e: {  	s4 =	sshll.u32 s27, $0x1;
	_ =	strace $0x80000049;
	[dreg:$0x1] =	wrdreg $0xFFFFFFFF  }
0x1f: {  	s28 =	simm.s32 $_size_execute0_lowered;
	s1 =	sadd.s32 s1, s4;
	[dreg:$0x0] =	wrdreg $0x0  }
0x20: {  	s4 =	sshll.u32 s28, $0x1;
	[dreg:$0x2] =	wrdreg s1  }
0x21: {  	[dreg:$0x3] =	wrdreg s4  }
0x22: {  	[dreg:$0x4] =	wrdreg $0xC0  }
0x23: {  	_ =	task [dreg:s6], $0x5FFFF  }
0x24: {  	[dreg:$0x1] =	wrdreg $0xFFFFFFFF  }
0x25: {  	[dreg:$0x0] =	wrdreg $0x60  }
0x26: {  	[dreg:$0x2] =	wrdreg s25  }
0x27: {  	[dreg:$0x3] =	wrdreg $0x9  }
0x28: {  	_ =	task.clear_ibuf [dreg:s6], $0x4FFFF;
	_ =	strace $0x90000049  }
0x29: {  	s29 =	simm.s32 $0x9;
	_ =	strace $0x8000004B  }
0x2a: {  	_ =	swait.ge [sflag:s29], $0x1  }
0x2b: {  	[sflag:s29] =	ssyncadd.s32 $0xFFFFFFFF  }
0x2c: {  	_ =	strace $0x9000004B  }
0x2d: {  	_ =	sfence  }
0x2e: {  	s30 =	sld [smem:$0x0];
	_ =	sdelay $0x2  }
0x2f: {  	s31 =	sshll.u32 s3, $0xD;
	s3 =	sshrl.u32 s3, $0x2  }
0x30: {  	s2 =	sand.u32 $0x4000, s31;
	s1 =	sadd.s32 s3, s30  }
0x31: {  	s0 =	sor.u32 s2, s0;
	s1 =	sshll.u32 s1, $0x11  }
0x32: {  	s0 =	sor.u32 s1, s0  }
0x33: {  	s0 =	sadd.s32 $0x8F2B, s0  }
0x34: {  	[sflag:s0] =	ssyncadd.remote.s32 $0x1  }
0x35: {  	_ =	sfence.sel $0xFFFF  }
0x36: {  	[dreg:$0x0] =	wrdreg $0xFFFFFFFF;
	(pc) =	sbr.abs _section_cstart, $3  }
0x37: {  	[dreg:$0x1] =	wrdreg $0xFFFFFFFF  }
0x38: {  	_ =	task.clear_ibuf [dreg:s6], $0x2FFFF;
	_ =	strace $0x9FFFFFFF  }
0x39: {  	(tm) =	ssettm $0x7FFFFFFF  }
tec
execute0_lowered:
.L_overlay_start_1:
0x0: {  	(tag) =	ssettag $0x1  }
0x1: {  	s0 =	srdreg.scid  }
0x2: {  	s1 =	sshll.u32 s0, $0x4  }
0x3: {  	s4 =	rddreg [dreg:$0x0];
	s0 =	stileid.u32;
	s1 =	sand.u32 $0x10, s1  }
0x4: {  	s7 =	simm.s32 $0x1;
	s8 =	simm.s32 $0x2;
	s2 =	sor.u32 s0, s1  }
0x5: {  	s11 =	simm.s32 $0x0;
	s10 =	simm.s32 $0x0;
	s2 =	sshll.u32 s2, $0x7  }
0x6: {  	s3 =	sadd.s32 $0x61AA00, s4;
	s4 =	sadd.s32 $0x200, s4;
	s6 =	ssub.s32 $0xC3500, s2  }
.Ltmp0:
0x7: {  	s1 =	rddreg [dreg:$0x1];
	s5 =	sand.u32 $0xF80, s6;
	(pc) =	sbr.rel .LBB1_1-.Ltmp0, $4  }
0x8: {  	_ =	strace $0x8000004A;
	s9 =	smov.u32 s2;
	p0 =	sne.s32 s5, $0x0  }
0x9: {  	s6 =	sshrl.u32 s6, $0xC;
	s5 =	simm.s32 $0x1;
	s7 =	simm.s32 @!p0 $0x0  }
0xa: {  	[sflag:s5] =	ssyncpa.u1 $0x0;
	p0 =	por $0x0, $0x0;
	s6 =	sadd.s32 s7, s6  }
0xb: {  	[sflag:s8] =	ssyncpa.u1 $0x0;
	s8 =	simm.s32 $0x61A800;
	s7 =	sadd.s32 $0x1, s6  }
.LBB1_4:
0xc: {  	s14 =	sshll.u32 s11, $0x3  }
0xd: {  	s14 =	sand.u32 $0xFFFFFC00, s14  }
0xe: {  	s15 =	sshrl.u32 s14, $0x8  }
0xf: {  	s15 =	smulhi.u32 $0x14F8B59, s15;
	_ =	sdelay $0x1  }
0x10: {  	s15 =	sshrl.u32 s15, $0x4  }
0x11: {  	s28 =	sand.u32 $0x7F, s11;
	s16 =	smul.u32 $0xC3500, s15  }
0x12: {  	s11 =	sor.u32 s28, s14  }
0x13: {  	s29 =	sand.u32 $0x1F, s15;
	s11 =	ssub.s32 s11, s16  }
0x14: {  	s14 =	smul.u32 $0x186A0, s29;
	s30 =	sshrl.u32 s11, $0x3;
	s11 =	sand.u32 $0x7, s11  }
0x15: {  	s15 =	sadd.s32 s4, s30;
	s11 =	sshll.u32 s11, $0x12  }
0x16: {  	[tilespmem:s13+$0x0 ss:$0x81] =	vst.msk $0xffff, v0;
	s31 =	sadd.s32 s14, s15;
	s11 =	sor.u32 $0x400, s11  }
0x17: {  	[hbm4b:s31+s11] =	stream.strided.scatter [tilespmem:s12], [sflag:$0x2], $0x1000, s8, s11, $0x20;
	[tilespmem:$0x4040] =	vst v63  }
.LBB1_5:
0x18: {  	s13 =	sadd.s32 $0x1000, s9  }
0x19: {  	p2 =	sgt.s32 s13, $0xC34FF  }
0x1a: {  	s13 =	smov.u32 @p2 s2;
	p2 =	sne.s32 s10, s7  }
.Ltmp1:
0x1b: {  	p1 =	slt.u32 s10, $0x2;
	(pc) =	sbr.rel @!p2 .LBB1_6-.Ltmp1, $4  }
0x1c: {  	s12 =	simm.s32 @!p1 $0x2  }
0x1d: {  	s14 =	sadd.s32 $0x1, s10;
	_ =	swait.ge @!p1 [sflag:s12], $0x1000  }
0x1e: {  	s11 =	smov.u32 s9;
	p0 =	por !p0, !p0;
	[sflag:s12] =	ssyncset.done @!p1 $0x0  }
0x1f: {  	s10 =	smov.u32 s14;
	s9 =	smov.u32 s13;
	[sflag:s12] =	ssyncadd.s32 @!p1 $0xFFFFF000  }
.LBB1_1:
0x20: {  	p1 =	sge.u32 s10, s6  }
0x21: {  	s12 =	sand.u32 @!p1 $0x1FFFFFF, s9  }
0x22: {  	s13 =	smulhi.u32 @!p1 $0x14F8B59, s12;
	_ =	sdelay $0x1  }
0x23: {  	s13 =	sshrl.u32 @!p1 s13, $0xC  }
0x24: {  	s13 =	smul.u32 @!p1 $0xC3500, s13;
	_ =	sdelay $0x1  }
0x25: {  	s31 =	sadd.s32 $0xFFFFFFFF, s10;
	s14 =	sxor.u32 @!p1 $0xFFFFFFFF, s10;
	s12 =	ssub.s32 @!p1 s12, s13  }
0x26: {  	s15 =	simm.s32 @!p1 $0x80;
	s14 =	sshll.u32 @!p1 s14, $0xC;
	s12 =	sshll.u32 @!p1 s12, $0x4  }
0x27: {  	s13 =	sand.u32 @!p1 $0x1000, s14;
	s14 =	simm.s32 @!p1 $0x20;
	s12 =	sadd.s32 @!p1 s3, s12  }
0x28: {  	[tilespmem:s13], [sflag:$0x1] =	stream.strided.gather @!p1 [hbm4b:s12+s14], $0x1000, s15, s14, $0x38;
	[tilespmem:$0x4040] =	vst v63  }
0x29: {  	p1 =	sge.u32 s31, s6  }
.Ltmp2:
0x2a: {  	_ = 	snop;
	(pc) =	sbr.rel @p1 .LBB1_5-.Ltmp2, $1  }
0x2b: {  	_ =	sdelay $0x3  }
0x2c: {  	s12 =	simm.s32 $0x1  }
0x2d: {  	_ =	swait.ge [sflag:s5], $0x1000;
	s12 =	simm.s32 @!p0 $0x0  }
0x2e: {  	[sflag:s5] =	ssyncset.done $0x0;
	s13 =	sshll.u32 s12, $0xC  }
0x2f: {  	[sflag:s5] =	ssyncadd.s32 $0xFFFFF000;
	s16 =	sor.u32 $0x10, s13  }
0x30: {  	s12 =	smul.u32 $0x4080, s12;
	v1 =	vld [tilespmem:s16+$0x0]  }
0x31: {  	s30 =	sand.u32 $0x1, s10;
	v0 =	vld [tilespmem:s16+$0xFFFFFFF0]  }
0x32: {  	s13 =	smul.u32 $0x4080, s30;
	s12 =	sshrl.u32 s12, $0x2  }
0x33: {  	s14 =	sor.u32 $0x2000, s12  }
0x34: {  	s31 =	sshrl.u32 s13, $0x2;
	s13 =	sadd.s32 $0x0, s14  }
0x35: {  	s15 =	simm.s32 $0x4;
	s16 =	sadd.s32 $0x20, s16;
	s12 =	sor.u32 $0x2000, s31;
	[tilespmem:s13+$0x810 ss:$0x81] =	vst.msk $0xffff, v1  }
.LBB1_3:
0x36: {  	v1 =	vld [tilespmem:s16+$0x0];
	p1 =	sne.s32 s15, $0x1FC;
	[tilespmem:s13+$0x0 ss:$0x81] =	vst.msk $0xffff, v0;
	s13 =	smov.u32 s15;
	s15 =	sadd.s32 $0x4, s15  }
.Ltmp3:
0x37: {  	v0 =	vld [tilespmem:s16+$0xFFFFFFF0];
	(pc) =	sbr.rel @p1 .LBB1_3-.Ltmp3, $4  }
0x38: {  	_ = 	snop  }
0x39: {  	s13 =	sshra.s32 s13, $0x2  }
0x3a: {  	s13 =	sadd.s32 s13, s14  }
0x3b: {  	s16 =	sadd.s32 $0x20, s16;
	[tilespmem:s13+$0x810 ss:$0x81] =	vst.msk $0xffff, v1  }
.Ltmp4:
0x3c: {  	_ = 	snop;
	(pc) =	sbr.rel .LBB1_4-.Ltmp4, $1  }
0x3d: {  	_ =	sdelay $0x3  }
.LBB1_6:
0x3e: {  	_ =	sfence.sel $0x180000  }
0x3f: {  	s2 =	simm.s32 $0x1;
	[bflag:$0x0] =	sbarrier.arrive $0xFFFF  }
0x40: {  	s31 =	simm.s32 $0x2;
	[sflag:s2] =	ssyncpa.u1 $0x1  }
0x41: {  	[sflag:s31] =	ssyncpa.u1 $0x1  }
0x42: {  	p0 =	sne.s32 s0, $0x0;
	_ =	strace $0x9000004A  }
0x43: {  	s0 =	sadd.s32 @!p0 $0x100000, s1;
	[bflag:$0x2] =	sbarrier.arrive $0xFFFF  }
0x44: {  	[sflag:s0] =	ssyncadd.tile.s32 @!p0 $0x1;
	_ =	shalt  }
.Lfunc_end1:
_tile_overlayer_lowered:
.L_overlay_start_2:
0x45: {  	(tag) =	ssettag $0x2  }
0x46: {  	s0 =	rddreg [dreg:$0x0];
	s2 =	stileid.u32  }
0x47: {  	s1 =	rddreg [dreg:$0x1];
	p0 =	sne.s32 s2, $0x0  }
0x48: {  	s3 =	rddreg [dreg:$0x2];
	[bflag:$0x3] =	sbarrier.arrive $0xFFFF;
	s2 =	simm.s32 @!p0 $0x1C01  }
0x49: {  	[timem:s3], [sflag:s2] =	dma.local @!p0 [hbm:s0], s1  }
0x4a: {  	s0 =	simm.s32 @!p0 $0x1  }
0x4b: {  	_ =	swait.ge @!p0 [sflag:s0], s1  }
0x4c: {  	s1 =	ssub.s32 @!p0 $0x0, s1;
	[sflag:s0] =	ssyncset.done @!p0 $0x0  }
0x4d: {  	[sflag:s0] =	ssyncadd.s32 @!p0 s1  }
0x4e: {  	[bflag:$0x3] =	sbarrier.arrive $0xFFFF  }
0x4f: {  	_ =	shalt  }

// kernel: sparse-core-data-format-call.cloned.1.call-start
scs
called_computation_lowered:
.L_overlay_start_0:
0x0: {  	s1 =	sld [smem:$0x3FD9]  }
0x1: {  	s2 =	sld [smem:$0x3FFE];
	_ =	sdelay $0x1  }
0x2: {  	s3 =	srdreg.scid  }
0x3: {  	s0 =	sand.u32 $0x1, s3  }
0x4: {  	s17 =	sshll.u32 s0, $0xA;
	s1 =	sadd.s32 s2, s1  }
0x5: {  	s1 =	sadd.s32 s1, s17  }
0x6: {  	[smem:$0x3FA9] =	sst s1  }
0x7: {  	_ = 	snop  }
0x8: {  	(tm) =	ssettm $0x1  }
0x9: {  	s18 =	sld [smem:$0x3FFB];
	_ =	sdelay $0x3  }
0xa: {  	_ =	strace s18  }
0xb: {  	s1 =	sld [smem:$0x3FFC];
	_ =	sdelay $0x3  }
0xc: {  	_ =	strace s1  }
0xd: {  	s1 =	sld [smem:$0x3FFD];
	_ =	sdelay $0x3  }
0xe: {  	_ =	strace s1  }
0xf: {  	_ =	strace $0x8FFFFFFF  }
0x10: {  	s19 =	sld [smem:$0x3FDB];
	_ =	sdelay $0x1  }
0x11: {  	s20 =	simm.s32 $_scs_section_size  }
0x12: {  	s4 =	simm.s32 $_size__tile_overlayer_lowered;
	s5 =	simm.s32 $_tile_overlayer_lowered  }
0x13: {  	s23 =	simm.s32 $0x1BFF;
	s22 =	sshll.u32 s5, $0x1;
	s1 =	sadd.s32 s20, s19  }
0x14: {  	s6 =	simm.s32 $0x0;
	s21 =	sshll.u32 s4, $0x1;
	s4 =	sadd.s32 s22, s1  }
0x15: {  	[timem:s6], [sflag:s23] =	dma.local [hbm:s4], s21  }
0x16: {  	_ =	swait.ge [sflag:s23], s21  }
0x17: {  	s2 =	ssub.s32 $0x0, s21;
	[sflag:s23] =	ssyncset.done $0x0  }
0x18: {  	[sflag:s23] =	ssyncadd.s32 s2;
	_ =	sdelay $0x1  }
0x19: {  	s24 =	simm.s32 $0x1B8B  }
0x1a: {  	_ =	swait.ge [sflag:s24], $0x1  }
0x1b: {  	[sflag:s24] =	ssyncset.done $0x0  }
0x1c: {  	s26 =	simm.s32 $0x1B8E;
	s25 =	sld [smem:$0x3FFE];
	[sflag:s24] =	ssyncadd.s32 $0xFFFFFFFF  }
0x1d: {  	s27 =	simm.s32 $execute0_lowered;
	[smem:$0x3FD2] =	sst s26  }
0x1e: {  	s4 =	sshll.u32 s27, $0x1;
	_ =	strace $0x8000004F;
	[dreg:$0x1] =	wrdreg $0xFFFFFFFF  }
0x1f: {  	s28 =	simm.s32 $_size_execute0_lowered;
	s1 =	sadd.s32 s1, s4;
	[dreg:$0x0] =	wrdreg $0x0  }
0x20: {  	s4 =	sshll.u32 s28, $0x1;
	[dreg:$0x2] =	wrdreg s1  }
0x21: {  	[dreg:$0x3] =	wrdreg s4  }
0x22: {  	[dreg:$0x4] =	wrdreg $0xC0  }
0x23: {  	_ =	task [dreg:s6], $0x5FFFF  }
0x24: {  	[dreg:$0x1] =	wrdreg $0xFFFFFFFF  }
0x25: {  	[dreg:$0x0] =	wrdreg $0x60  }
0x26: {  	[dreg:$0x2] =	wrdreg s25  }
0x27: {  	[dreg:$0x3] =	wrdreg $0x9  }
0x28: {  	_ =	task.clear_ibuf [dreg:s6], $0x4FFFF;
	_ =	strace $0x9000004F  }
0x29: {  	s29 =	simm.s32 $0x9;
	_ =	strace $0x80000051  }
0x2a: {  	_ =	swait.ge [sflag:s29], $0x1  }
0x2b: {  	[sflag:s29] =	ssyncadd.s32 $0xFFFFFFFF  }
0x2c: {  	_ =	strace $0x90000051  }
0x2d: {  	_ =	sfence  }
0x2e: {  	s30 =	sld [smem:$0x0];
	_ =	sdelay $0x2  }
0x2f: {  	s31 =	sshll.u32 s3, $0xD;
	s3 =	sshrl.u32 s3, $0x2  }
0x30: {  	s2 =	sand.u32 $0x4000, s31;
	s1 =	sadd.s32 s3, s30  }
0x31: {  	s0 =	sor.u32 s2, s0;
	s1 =	sshll.u32 s1, $0x11  }
0x32: {  	s0 =	sor.u32 s1, s0  }
0x33: {  	s0 =	sadd.s32 $0x8F2B, s0  }
0x34: {  	[sflag:s0] =	ssyncadd.remote.s32 $0x1  }
0x35: {  	_ =	sfence.sel $0xFFFF  }
0x36: {  	[dreg:$0x0] =	wrdreg $0xFFFFFFFF;
	(pc) =	sbr.abs _section_cstart, $3  }
0x37: {  	[dreg:$0x1] =	wrdreg $0xFFFFFFFF  }
0x38: {  	_ =	task.clear_ibuf [dreg:s6], $0x2FFFF;
	_ =	strace $0x9FFFFFFF  }
0x39: {  	(tm) =	ssettm $0x7FFFFFFF  }
tec
execute0_lowered:
.L_overlay_start_1:
0x0: {  	(tag) =	ssettag $0x1  }
0x1: {  	s0 =	srdreg.scid  }
0x2: {  	s1 =	sshll.u32 s0, $0x4  }
0x3: {  	s0 =	stileid.u32;
	s1 =	sand.u32 $0x10, s1  }
0x4: {  	s2 =	rddreg [dreg:$0x0];
	s7 =	simm.s32 $0x1;
	s1 =	sor.u32 s0, s1  }
0x5: {  	s8 =	simm.s32 $0x2;
	s11 =	simm.s32 $0x0;
	s3 =	sshll.u32 s1, $0x7  }
0x6: {  	s10 =	simm.s32 $0x0;
	s4 =	sadd.s32 $0x927E00, s2;
	s6 =	ssub.s32 $0x186A00, s3  }
.Ltmp0:
0x7: {  	s1 =	rddreg [dreg:$0x1];
	s5 =	sand.u32 $0xF80, s6;
	(pc) =	sbr.rel .LBB1_1-.Ltmp0, $4  }
0x8: {  	_ =	strace $0x80000050;
	s9 =	smov.u32 s3;
	p0 =	sne.s32 s5, $0x0  }
0x9: {  	s6 =	sshrl.u32 s6, $0xC;
	s5 =	simm.s32 $0x1;
	s7 =	simm.s32 @!p0 $0x0  }
0xa: {  	[sflag:s5] =	ssyncpa.u1 $0x0;
	p0 =	por $0x0, $0x0;
	s6 =	sadd.s32 s7, s6  }
0xb: {  	[sflag:s8] =	ssyncpa.u1 $0x0;
	s8 =	simm.s32 $0xC35000;
	s7 =	sadd.s32 $0x1, s6  }
.LBB1_4:
0xc: {  	s14 =	sshll.u32 s11, $0x3  }
0xd: {  	s14 =	sand.u32 $0xFFFFFC00, s14  }
0xe: {  	s15 =	sshrl.u32 s14, $0x9  }
0xf: {  	s15 =	smulhi.u32 $0xA7C5AD, s15;
	_ =	sdelay $0x1  }
0x10: {  	s15 =	sshrl.u32 s15, $0x3  }
0x11: {  	s28 =	sand.u32 $0x7F, s11;
	s16 =	smul.u32 $0x186A00, s15  }
0x12: {  	[tilespmem:s12+$0xFFFFFFFC ss:$0x81] =	vst.msk $0xffff, v0;
	s11 =	sor.u32 s28, s14  }
0x13: {  	[tilespmem:s12+$0xFFFFFFFD ss:$0x81] =	vst.msk $0xffff, v3;
	s29 =	sand.u32 $0xF, s15;
	s11 =	ssub.s32 s11, s16  }
0x14: {  	[tilespmem:s12+$0xFFFFFFFE ss:$0x81] =	vst.msk $0xffff, v1;
	s14 =	smul.u32 $0x30D40, s29;
	s30 =	sshrl.u32 s11, $0x3;
	s11 =	sand.u32 $0x7, s11  }
0x15: {  	[tilespmem:s12+$0xFFFFFFFF ss:$0x81] =	vst.msk $0xffff, v4;
	s15 =	sadd.s32 s2, s30;
	s11 =	sshll.u32 s11, $0x12  }
0x16: {  	[tilespmem:s12+$0xFFFFFFF9 ss:$0x81] =	vst.msk $0xffff, v2;
	s31 =	sadd.s32 s14, s15;
	s11 =	sor.u32 $0x400, s11  }
0x17: {  	[hbm4b:s31+s11] =	stream.strided.scatter [tilespmem:s13], [sflag:$0x2], $0x800, s8, s11, $0x20;
	[tilespmem:$0x2020] =	vst v63  }
.LBB1_5:
0x18: {  	s13 =	sadd.s32 $0x1000, s9  }
0x19: {  	p2 =	sgt.s32 s13, $0x1869FF  }
0x1a: {  	s13 =	smov.u32 @p2 s3;
	p2 =	sne.s32 s10, s7  }
.Ltmp1:
0x1b: {  	p1 =	slt.u32 s10, $0x2;
	(pc) =	sbr.rel @!p2 .LBB1_6-.Ltmp1, $4  }
0x1c: {  	s12 =	simm.s32 @!p1 $0x2  }
0x1d: {  	s14 =	sadd.s32 $0x1, s10;
	_ =	swait.ge @!p1 [sflag:s12], $0x800  }
0x1e: {  	s11 =	smov.u32 s9;
	p0 =	por !p0, !p0;
	[sflag:s12] =	ssyncset.done @!p1 $0x0  }
0x1f: {  	s10 =	smov.u32 s14;
	s9 =	smov.u32 s13;
	[sflag:s12] =	ssyncadd.s32 @!p1 $0xFFFFF800  }
.LBB1_1:
0x20: {  	p1 =	sge.u32 s10, s6  }
0x21: {  	s12 =	sand.u32 @!p1 $0x1FFFFFF, s9  }
0x22: {  	s13 =	smulhi.u32 @!p1 $0x14F8B59, s12;
	_ =	sdelay $0x1  }
0x23: {  	s13 =	sshrl.u32 @!p1 s13, $0xD  }
0x24: {  	s13 =	smul.u32 @!p1 $0x186A00, s13;
	_ =	sdelay $0x1  }
0x25: {  	s31 =	sadd.s32 $0xFFFFFFFF, s10;
	s14 =	sxor.u32 @!p1 $0xFFFFFFFF, s10;
	s12 =	ssub.s32 @!p1 s12, s13  }
0x26: {  	s15 =	simm.s32 @!p1 $0x80;
	s14 =	sshll.u32 @!p1 s14, $0xB;
	s12 =	sshll.u32 @!p1 s12, $0x4  }
0x27: {  	s13 =	sand.u32 @!p1 $0x800, s14;
	s14 =	simm.s32 @!p1 $0x10;
	s12 =	sadd.s32 @!p1 s4, s12  }
0x28: {  	[tilespmem:s13], [sflag:$0x1] =	stream.strided.gather @!p1 [hbm4b:s12+s14], $0x800, s15, s14, $0x38;
	[tilespmem:$0x2020] =	vst v63  }
0x29: {  	p1 =	sge.u32 s31, s6  }
.Ltmp2:
0x2a: {  	_ = 	snop;
	(pc) =	sbr.rel @p1 .LBB1_5-.Ltmp2, $1  }
0x2b: {  	_ =	sdelay $0x3  }
0x2c: {  	s12 =	simm.s32 $0x1  }
0x2d: {  	_ =	swait.ge [sflag:s5], $0x800;
	s12 =	simm.s32 @!p0 $0x0  }
0x2e: {  	[sflag:s5] =	ssyncset.done $0x0;
	s13 =	sshll.u32 s12, $0xB  }
0x2f: {  	[sflag:s5] =	ssyncadd.s32 $0xFFFFF800;
	s15 =	sor.u32 $0x40, s13  }
0x30: {  	v2 =	vld [tilespmem:s15+$0x30]  }
0x31: {  	s12 =	smul.u32 $0x2040, s12;
	v4 =	vld [tilespmem:s15+$0xFFFFFFD0]  }
0x32: {  	v5 =	vld [tilespmem:s15+$0xFFFFFFE0]  }
0x33: {  	s31 =	sand.u32 $0x1, s10;
	s12 =	sshrl.u32 s12, $0x2;
	v0 =	vld [tilespmem:s15+$0xFFFFFFF0]  }
0x34: {  	s13 =	smul.u32 $0x2040, s31;
	v3 =	vld [tilespmem:s15+$0x0];
	s12 =	sor.u32 $0x1007, s12  }
0x35: {  	v1 =	vld [tilespmem:s15+$0x10];
	[tilespmem:s12+$0x0 ss:$0x81] =	vst.msk $0xffff, v2  }
0x36: {  	s13 =	sshrl.u32 s13, $0x2;
	[tilespmem:s12+$0xFFFFFFFA ss:$0x81] =	vst.msk $0xffff, v4;
	v4 =	vld [tilespmem:s15+$0x20]  }
0x37: {  	s14 =	simm.s32 $0x0;
	s13 =	sor.u32 $0x1000, s13;
	v2 =	vld [tilespmem:s15+$0xFFFFFFC0];
	[tilespmem:s12+$0xFFFFFFFB ss:$0x81] =	vst.msk $0xffff, v5;
	s15 =	sadd.s32 $0x80, s15  }
.LBB1_3:
0x38: {  	v5 =	vld [tilespmem:s15+$0x30];
	s14 =	sadd.s32 $0x8, s14;
	[tilespmem:s12+$0xFFFFFFFC ss:$0x81] =	vst.msk $0xffff, v0  }
0x39: {  	v6 =	vld [tilespmem:s15+$0xFFFFFFD0];
	p1 =	slt.u32 s14, $0x78;
	[tilespmem:s12+$0xFFFFFFFD ss:$0x81] =	vst.msk $0xffff, v3  }
0x3a: {  	v7 =	vld [tilespmem:s15+$0xFFFFFFE0];
	[tilespmem:s12+$0xFFFFFFFE ss:$0x81] =	vst.msk $0xffff, v1  }
.Ltmp3:
0x3b: {  	v0 =	vld [tilespmem:s15+$0xFFFFFFF0];
	[tilespmem:s12+$0xFFFFFFFF ss:$0x81] =	vst.msk $0xffff, v4;
	(pc) =	sbr.rel @p1 .LBB1_3-.Ltmp3, $4  }
0x3c: {  	v3 =	vld [tilespmem:s15+$0x0];
	[tilespmem:s12+$0xFFFFFFF9 ss:$0x81] =	vst.msk $0xffff, v2;
	s12 =	sadd.s32 $0x8, s12  }
0x3d: {  	v1 =	vld [tilespmem:s15+$0x10];
	[tilespmem:s12+$0x0 ss:$0x81] =	vst.msk $0xffff, v5  }
0x3e: {  	[tilespmem:s12+$0xFFFFFFFA ss:$0x81] =	vst.msk $0xffff, v6;
	v4 =	vld [tilespmem:s15+$0x20]  }
0x3f: {  	v2 =	vld [tilespmem:s15+$0xFFFFFFC0];
	[tilespmem:s12+$0xFFFFFFFB ss:$0x81] =	vst.msk $0xffff, v7;
	s15 =	sadd.s32 $0x80, s15  }
.Ltmp4:
0x40: {  	_ = 	snop;
	(pc) =	sbr.rel .LBB1_4-.Ltmp4, $1  }
0x41: {  	_ =	sdelay $0x3  }
.LBB1_6:
0x42: {  	_ =	sfence.sel $0x180000  }
0x43: {  	s2 =	simm.s32 $0x1;
	[bflag:$0x0] =	sbarrier.arrive $0xFFFF  }
0x44: {  	s31 =	simm.s32 $0x2;
	[sflag:s2] =	ssyncpa.u1 $0x1  }
0x45: {  	[sflag:s31] =	ssyncpa.u1 $0x1  }
0x46: {  	p0 =	sne.s32 s0, $0x0;
	_ =	strace $0x90000050  }
0x47: {  	s0 =	sadd.s32 @!p0 $0x100000, s1;
	[bflag:$0x2] =	sbarrier.arrive $0xFFFF  }
0x48: {  	[sflag:s0] =	ssyncadd.tile.s32 @!p0 $0x1;
	_ =	shalt  }
.Lfunc_end1:
_tile_overlayer_lowered:
.L_overlay_start_2:
0x49: {  	(tag) =	ssettag $0x2  }
0x4a: {  	s0 =	rddreg [dreg:$0x0];
	s2 =	stileid.u32  }
0x4b: {  	s1 =	rddreg [dreg:$0x1];
	p0 =	sne.s32 s2, $0x0  }
0x4c: {  	s3 =	rddreg [dreg:$0x2];
	[bflag:$0x3] =	sbarrier.arrive $0xFFFF;
	s2 =	simm.s32 @!p0 $0x1C01  }
0x4d: {  	[timem:s3], [sflag:s2] =	dma.local @!p0 [hbm:s0], s1  }
0x4e: {  	s0 =	simm.s32 @!p0 $0x1  }
0x4f: {  	_ =	swait.ge @!p0 [sflag:s0], s1  }
0x50: {  	s1 =	ssub.s32 @!p0 $0x0, s1;
	[sflag:s0] =	ssyncset.done @!p0 $0x0  }
0x51: {  	[sflag:s0] =	ssyncadd.s32 @!p0 s1  }
0x52: {  	[bflag:$0x3] =	sbarrier.arrive $0xFFFF  }
0x53: {  	_ =	shalt  }

</sc_bundles>
